<compile_context>
chip_gen: v7x
topology: tpu7x:2x2x1
jax: 0.10.2.dev20260603
libtpu: 0.0.44.dev20260713+nightly
codegen_flags: <defaults>
</compile_context>

<pallas_src>
import functools

import jax
import jax.numpy as jnp
from jax import lax
from jax.experimental import pallas as pl
from jax.experimental.pallas import tpu as pltpu
from jax.experimental.pallas import tpu_sc as plsc

_SMOOTH = 1e-05
_NC, _NS, _L = 2, 16, 16
_NW = _NC * _NS

_K1 = 0.6931471805599453 / (1 << 23)
_G = (-88.02955, 3.6034518e-08, -6.5948397e-15, 3.6661022e-22, -1.1079349e-29)


def _ln(v):
    bits = plsc.bitcast(v, jnp.int32)
    y1 = bits.astype(jnp.float32) * jnp.float32(_K1)
    mant = lax.bitwise_and(bits, 0x007FFFFF).astype(jnp.float32)
    p = jnp.float32(_G[4])
    for k in (3, 2, 1, 0):
        p = p * mant + jnp.float32(_G[k])
    return y1 + p


def _sc_body(rows_w, rch, logit_hbm, tgt_hbm, abits_hbm, loss_hbm, cnt_hbm,
             ch_v, t_v, abits_vm, out_v, sem_a, sem_b):
    wid = lax.axis_index("s") * _NC + lax.axis_index("c")
    H, W = tgt_hbm.shape[1], tgt_hbm.shape[2]
    C = logit_hbm.shape[1]
    nch = rows_w // rch
    sub_per_batch = H // rows_w
    b = wid // sub_per_batch
    row0 = (wid % sub_per_batch) * rows_w
    sems = (sem_a, sem_b)

    pltpu.sync_copy(abits_hbm, abits_vm)
    abits_v = abits_vm[...]

    def copies(chunk, slot):
        r = row0 + chunk * rch
        srcs = [logit_hbm.at[b, c, pl.ds(r, rch), :] for c in range(C)]
        srcs.append(tgt_hbm.at[b, pl.ds(r, rch), :])
        dsts = [ch_v.at[slot, c] for c in range(C)]
        dsts.append(t_v.at[slot])
        return [(s, d, sem_a) for s, d in zip(srcs, dsts)]

    def issue(chunk, slot):
        for s, d, sem in copies(chunk, slot):
            pltpu.async_copy(s, d, sem)

    def drain(chunk, slot):
        for s, d, sem in copies(chunk, slot):
            pltpu.make_async_copy(s, d, sem).wait()

    unroll = 4

    def compute(slot, acc, cnt):
        lane = lax.iota(jnp.int32, _L)
        tsl = t_v.at[slot]
        csl = ch_v.at[slot]

        def row_body(i, rcarry):
            acc, cnt = rcarry
            rowsplat = jnp.full((_L,), i, jnp.int32)

            def col_body(j, ccarry):
                acc, cnt = ccarry
                for u in range(unroll):
                    col0 = (j * unroll + u) * _L
                    t = tsl[i, pl.ds(col0, _L)]
                    v = csl[0, i, pl.ds(col0, _L)]
                    for c in range(1, C):
                        v = jnp.where(t == c, csl[c, i, pl.ds(col0, _L)], v)
                    v = jnp.maximum(v, jnp.float32(_SMOOTH))
                    ln_v = _ln(v)
                    a = lax.bitwise_and(
                        lax.shift_right_logical(abits_v, t), 1
                    ).astype(jnp.float32)
                    acc = acc + a * (ln_v + jnp.float32(_SMOOTH))
                    cnt = cnt + jnp.minimum(t, 1)
                return acc, cnt

            return lax.fori_loop(0, W // (_L * unroll), col_body, (acc, cnt))

        return lax.fori_loop(0, rch, row_body, (acc, cnt))

    acc = jnp.zeros((_L,), jnp.float32)
    cnt = jnp.zeros((_L,), jnp.int32)
    issue(0, 0)

    def chunk_body(k, carry):
        acc, cnt = carry
        slot = lax.rem(k, 2)
        drain(k, slot)

        @pl.when(k + 1 < nch)
        def _():
            issue(k + 1, 1 - slot)

        return compute(slot, acc, cnt)

    acc, cnt = lax.fori_loop(0, nch, chunk_body, (acc, cnt))

    out_v[...] = acc
    pltpu.sync_copy(out_v, loss_hbm.at[pl.ds(wid * _L, _L)])
    out_v[...] = cnt.astype(jnp.float32)
    pltpu.sync_copy(out_v, cnt_hbm.at[pl.ds(wid * _L, _L)])


def kernel(logit, target, class_for_batch):
    B, C, H, W = logit.shape
    n = B * H * W
    rows_w = (B * H) // _NW
    rch = 16

    present = (jnp.arange(C)[:, None] == class_for_batch[None, :]).any(axis=1)
    alpha = jnp.where(present, 1.0, 0.0).astype(jnp.float32)
    alpha = alpha.at[0].set(0.0)
    abits = jnp.sum(
        jnp.where(alpha > 0, (1 << jnp.arange(C)).astype(jnp.int32), 0)
    ).astype(jnp.int32)
    abits16 = jnp.full((_L,), abits, jnp.int32)

    tg = target.reshape(B, H, W)

    mesh = plsc.VectorSubcoreMesh(
        core_axis_name="c", subcore_axis_name="s", num_cores=_NC, num_subcores=_NS
    )
    loss_part, cnt_part = pl.kernel(
        functools.partial(_sc_body, rows_w, rch),
        out_type=[
            jax.ShapeDtypeStruct((_NW * _L,), jnp.float32),
            jax.ShapeDtypeStruct((_NW * _L,), jnp.float32),
        ],
        mesh=mesh,
        compiler_params=pltpu.CompilerParams(
            use_tc_tiling_on_sc=True, needs_layout_passes=False
        ),
        scratch_types=[
            pltpu.VMEM((2, C, rch, W), jnp.float32),
            pltpu.VMEM((2, rch, W), jnp.int32),
            pltpu.VMEM((_L,), jnp.int32),
            pltpu.VMEM((_L,), jnp.float32),
            pltpu.SemaphoreType.DMA,
            pltpu.SemaphoreType.DMA,
        ],
    )(logit, tg, abits16)

    s = -jnp.sum(loss_part)
    pos = jnp.sum(cnt_part)
    return jnp.where(pos > 0, s / pos, s / jnp.float32(n))

# --- scband reference (transcript-rebuilt; emitter-appended) ---
"""Pipeline reference for scband-masked-cross-entropy-41575283425491 (READ-ONLY COPY).

The authoritative reference and input builder live on the scoring server;
editing this copy changes nothing except your own understanding.
"""

import jax, jax.numpy as jnp
import numpy as np


def setup_inputs(seed: int = 0) -> dict:
    key = jax.random.key(seed)
    k1, k2 = jax.random.split(key)
    logit = jax.random.uniform(k1, (8, 5, 512, 512), dtype=jnp.float32)
    target = jax.random.randint(k2, (8, 1, 512, 512), 0, 5, dtype=jnp.int32)
    class_for_batch = jnp.arange(5, dtype=jnp.int32)
    return {"logit": logit, "target": target, "class_for_batch": class_for_batch}


def reference(logit, target, class_for_batch):
    smooth = 1e-05
    num_class = logit.shape[1]
    # logit.dim() > 2: [B, C, H, W] -> [B, C, HW] -> [B, HW, C] -> [B*HW, C]
    lg = logit.reshape(logit.shape[0], num_class, -1)
    lg = jnp.transpose(lg, (0, 2, 1)).reshape(-1, num_class)
    # target squeeze + view(-1, 1)
    tgt = target.reshape(-1)
    # alpha: ones(num_class); zero out missing channels and channel 0 (Miss=True)
    present = (jnp.arange(num_class)[:, None] == class_for_batch[None, :]).any(axis=1)
    alpha = jnp.where(present, 1.0, 0.0).astype(jnp.float32)
    alpha = alpha.at[0].set(0.0)
    # one-hot via scatter-overwrite
    n = tgt.shape[0]
    one_hot_key = jnp.zeros((n, num_class), dtype=jnp.float32).at[jnp.arange(n), tgt].set(1.0)
    # clamp + log
    lg = jnp.clip(lg, smooth, 1.0)
    logpt = jnp.log(lg)
    CELoss = (one_hot_key * logpt).sum(axis=1) + smooth
    a = jnp.take(alpha, tgt, axis=0)
    loss = -1.0 * a * CELoss
    # size_average=True, Miss=True
    pos = (tgt > 0).sum()
    loss = jnp.where(pos > 0, loss.sum() / pos.astype(jnp.float32), loss.mean())
    return loss

if __name__ == "__main__":
    import jax
    _d = setup_inputs()
    print(jax.jit(kernel)(*tuple(_d.values())))

</pallas_src>

<mosaic_0001>
#map = affine_map<(d0, d1) -> (0, 0, 0, 0)>
#map1 = affine_map<(d0, d1) -> (0, 0, 0)>
#map2 = affine_map<(d0, d1) -> (0)>
module attributes {stable_mosaic.version = 14 : i64} {
  func.func @_sc_body(%arg0: i32, %arg1: i32, %arg2: memref<8x5x512x512xf32, #tpu.memory_space<hbm>>, %arg3: memref<8x512x512xi32, #tpu.memory_space<hbm>>, %arg4: memref<16xi32, #tpu.memory_space<hbm>>, %arg5: memref<512xf32, #tpu.memory_space<hbm>>, %arg6: memref<512xf32, #tpu.memory_space<hbm>>, %arg7: memref<2x5x16x512xf32, #tpu.memory_space<vmem>>, %arg8: memref<2x16x512xi32, #tpu.memory_space<vmem>>, %arg9: memref<16xi32, #tpu.memory_space<vmem>>, %arg10: memref<16xf32, #tpu.memory_space<vmem>>, %arg11: memref<!tpu.dma_semaphore, #tpu.memory_space<semaphore_mem>>, %arg12: memref<!tpu.dma_semaphore, #tpu.memory_space<semaphore_mem>>) attributes {dimension_semantics = [#tpu.dimension_semantics<core_parallel>, #tpu.dimension_semantics<subcore_parallel>], iteration_bounds = array<i64: 2, 16>, scalar_prefetch = 0 : i64, scratch_operands = 6 : i64, tpu.core_type = #tpu.core_type<sc_vector_subcore>, window_params = [{transform_indices = #map}, {transform_indices = #map1}, {transform_indices = #map2}, {transform_indices = #map2}, {transform_indices = #map2}]} {
    %mul3A = arith.constant 2 : i32
    %mul3A_0 = arith.muli %arg1, %mul3A : i32
    %add3A = arith.addi %mul3A_0, %arg0 : i32
    %jit3A = arith.constant 4 : i32
    %div3A = arith.divsi %add3A, %jit3A : i32
    %sign3A = arith.constant 0 : i32
    %sign3A_1 = arith.cmpi sgt, %add3A, %sign3A : i32
    %sign3A_2 = arith.extui %sign3A_1 : i1 to i32
    %sign3A_3 = arith.constant 0 : i32
    %sign3A_4 = arith.cmpi slt, %add3A, %sign3A_3 : i32
    %sign3A_5 = arith.extui %sign3A_4 : i1 to i32
    %sign3A_6 = arith.subi %sign3A_2, %sign3A_5 : i32
    %sign3A_7 = arith.constant 0 : i32
    %sign3A_8 = arith.cmpi sgt, %jit3A, %sign3A_7 : i32
    %sign3A_9 = arith.extui %sign3A_8 : i1 to i32
    %sign3A_10 = arith.constant 0 : i32
    %sign3A_11 = arith.cmpi slt, %jit3A, %sign3A_10 : i32
    %sign3A_12 = arith.extui %sign3A_11 : i1 to i32
    %sign3A_13 = arith.subi %sign3A_9, %sign3A_12 : i32
    %ne3A = arith.cmpi ne, %sign3A_6, %sign3A_13 : i32
    %rem3A = arith.remsi %add3A, %jit3A : i32
    %ne3A_14 = arith.constant 0 : i32
    %ne3A_15 = arith.cmpi ne, %rem3A, %ne3A_14 : i32
    %and3A = arith.andi %ne3A, %ne3A_15 : i1
    %sub3A = arith.constant 1 : i32
    %sub3A_16 = arith.subi %div3A, %sub3A : i32
    %select_n3A = arith.select %and3A, %sub3A_16, %div3A : i32
    %jit3A_17 = arith.constant 4 : i32
    %eq3A = arith.constant 0 : i32
    %eq3A_18 = arith.cmpi eq, %jit3A_17, %eq3A : i32
    %jit3A_19 = arith.constant 1 : i32
    %select_n3A_20 = arith.select %eq3A_18, %jit3A_19, %jit3A_17 : i32
    %rem3A_21 = arith.remsi %add3A, %select_n3A_20 : i32
    %ne3A_22 = arith.constant 0 : i32
    %ne3A_23 = arith.cmpi ne, %rem3A_21, %ne3A_22 : i32
    %lt3A = arith.constant 0 : i32
    %lt3A_24 = arith.cmpi slt, %rem3A_21, %lt3A : i32
    %lt3A_25 = arith.constant 0 : i32
    %lt3A_26 = arith.cmpi slt, %select_n3A_20, %lt3A_25 : i32
    %ne3A_27 = arith.xori %lt3A_24, %lt3A_26 : i1
    %and3A_28 = arith.andi %ne3A_27, %ne3A_23 : i1
    %add3A_29 = arith.addi %rem3A_21, %select_n3A_20 : i32
    %select_n3A_30 = arith.select %and3A_28, %add3A_29, %rem3A_21 : i32
    %mul3A_31 = arith.constant 128 : i32
    %mul3A_32 = arith.muli %select_n3A_30, %mul3A_31 : i32
    "tpu.region"() ({
      %run_scoped3A = tpu.sem_alloc : memref<!tpu.dma_semaphore, #tpu.memory_space<semaphore_mem>>
      tpu.enqueue_dma source(%arg4 : memref<16xi32, #tpu.memory_space<hbm>>) target(%arg9 : memref<16xi32, #tpu.memory_space<vmem>>) target_semaphore(%run_scoped3A : memref<!tpu.dma_semaphore, #tpu.memory_space<semaphore_mem>>)
      tpu.wait_dma2 semaphore(%run_scoped3A : memref<!tpu.dma_semaphore, #tpu.memory_space<semaphore_mem>>) src(%arg4 : memref<16xi32, #tpu.memory_space<hbm>>) dst(%arg9 : memref<16xi32, #tpu.memory_space<vmem>>)
      tpu.yield
    }) : () -> ()
    %get3A = arith.constant 0 : index
    %get3A_33 = tpu.vector_load %arg9[%get3A] {strides = array<i32>} : memref<16xi32, #tpu.memory_space<vmem>>, vector<16xi32>,
    %broadcast_in_dim3A = arith.constant 0.000000e+00 : f32
    %broadcast_in_dim3A_34 = vector.broadcast %broadcast_in_dim3A : f32 to vector<16xf32>
    %broadcast_in_dim3A_35 = arith.constant 0 : i32
    %broadcast_in_dim3A_36 = vector.broadcast %broadcast_in_dim3A_35 : i32 to vector<16xi32>
    %add3A_37 = arith.constant 0 : i32
    %add3A_38 = arith.addi %mul3A_32, %add3A_37 : i32
    %dma_start3A = arith.constant 0 : i32
    %dma_start3A_39 = arith.constant 0 : i32
    %dma_start3A_40 = arith.constant 0 : i32
    %dma_start3A_41 = arith.constant 0 : i32
    %dma_start3A_42 = arith.constant 0 : i32
    %dma_start3A_43 = tpu.memref_slice %arg7[%dma_start3A_39, %dma_start3A_40, %dma_start3A_41, %dma_start3A_42] : memref<2x5x16x512xf32, #tpu.memory_space<vmem>> -> memref<1x1x16x512xf32, #tpu.memory_space<vmem>>
    %dma_start3A_44 = tpu.memref_squeeze %dma_start3A_43 : memref<1x1x16x512xf32, #tpu.memory_space<vmem>> -> memref<16x512xf32, #tpu.memory_space<vmem>>
    %dma_start3A_45 = arith.constant 0 : i32
    %dma_start3A_46 = tpu.memref_slice %arg2[%select_n3A, %dma_start3A, %add3A_38, %dma_start3A_45] : memref<8x5x512x512xf32, #tpu.memory_space<hbm>> -> memref<1x1x16x512xf32, #tpu.memory_space<hbm>>
    %dma_start3A_47 = tpu.memref_squeeze %dma_start3A_46 : memref<1x1x16x512xf32, #tpu.memory_space<hbm>> -> memref<16x512xf32, #tpu.memory_space<hbm>>
    %dma_start3A_48 = arith.constant 0 : i32
    %dma_start3A_49 = arith.constant 0 : i32
    %dma_start3A_50 = tpu.memref_slice %arg7[%dma_start3A_39, %dma_start3A_40, %dma_start3A_48, %dma_start3A_49] : memref<2x5x16x512xf32, #tpu.memory_space<vmem>> -> memref<1x1x16x512xf32, #tpu.memory_space<vmem>>
    %dma_start3A_51 = tpu.memref_squeeze %dma_start3A_50 : memref<1x1x16x512xf32, #tpu.memory_space<vmem>> -> memref<16x512xf32, #tpu.memory_space<vmem>>
    %dma_start3A_52 = arith.constant 0 : i32
    %dma_start3A_53 = tpu.memref_slice %arg2[%select_n3A, %dma_start3A, %add3A_38, %dma_start3A_52] : memref<8x5x512x512xf32, #tpu.memory_space<hbm>> -> memref<1x1x16x512xf32, #tpu.memory_space<hbm>>
    %dma_start3A_54 = tpu.memref_squeeze %dma_start3A_53 : memref<1x1x16x512xf32, #tpu.memory_space<hbm>> -> memref<16x512xf32, #tpu.memory_space<hbm>>
    tpu.enqueue_dma source(%dma_start3A_54 : memref<16x512xf32, #tpu.memory_space<hbm>>) target(%dma_start3A_51 : memref<16x512xf32, #tpu.memory_space<vmem>>) target_semaphore(%arg11 : memref<!tpu.dma_semaphore, #tpu.memory_space<semaphore_mem>>)
    %dma_start3A_55 = arith.constant 1 : i32
    %dma_start3A_56 = arith.constant 0 : i32
    %dma_start3A_57 = arith.constant 1 : i32
    %dma_start3A_58 = arith.constant 0 : i32
    %dma_start3A_59 = arith.constant 0 : i32
    %dma_start3A_60 = tpu.memref_slice %arg7[%dma_start3A_56, %dma_start3A_57, %dma_start3A_58, %dma_start3A_59] : memref<2x5x16x512xf32, #tpu.memory_space<vmem>> -> memref<1x1x16x512xf32, #tpu.memory_space<vmem>>
    %dma_start3A_61 = tpu.memref_squeeze %dma_start3A_60 : memref<1x1x16x512xf32, #tpu.memory_space<vmem>> -> memref<16x512xf32, #tpu.memory_space<vmem>>
    %dma_start3A_62 = arith.constant 0 : i32
    %dma_start3A_63 = tpu.memref_slice %arg2[%select_n3A, %dma_start3A_55, %add3A_38, %dma_start3A_62] : memref<8x5x512x512xf32, #tpu.memory_space<hbm>> -> memref<1x1x16x512xf32, #tpu.memory_space<hbm>>
    %dma_start3A_64 = tpu.memref_squeeze %dma_start3A_63 : memref<1x1x16x512xf32, #tpu.memory_space<hbm>> -> memref<16x512xf32, #tpu.memory_space<hbm>>
    %dma_start3A_65 = arith.constant 0 : i32
    %dma_start3A_66 = arith.constant 0 : i32
    %dma_start3A_67 = tpu.memref_slice %arg7[%dma_start3A_56, %dma_start3A_57, %dma_start3A_65, %dma_start3A_66] : memref<2x5x16x512xf32, #tpu.memory_space<vmem>> -> memref<1x1x16x512xf32, #tpu.memory_space<vmem>>
    %dma_start3A_68 = tpu.memref_squeeze %dma_start3A_67 : memref<1x1x16x512xf32, #tpu.memory_space<vmem>> -> memref<16x512xf32, #tpu.memory_space<vmem>>
    %dma_start3A_69 = arith.constant 0 : i32
    %dma_start3A_70 = tpu.memref_slice %arg2[%select_n3A, %dma_start3A_55, %add3A_38, %dma_start3A_69] : memref<8x5x512x512xf32, #tpu.memory_space<hbm>> -> memref<1x1x16x512xf32, #tpu.memory_space<hbm>>
    %dma_start3A_71 = tpu.memref_squeeze %dma_start3A_70 : memref<1x1x16x512xf32, #tpu.memory_space<hbm>> -> memref<16x512xf32, #tpu.memory_space<hbm>>
    tpu.enqueue_dma source(%dma_start3A_71 : memref<16x512xf32, #tpu.memory_space<hbm>>) target(%dma_start3A_68 : memref<16x512xf32, #tpu.memory_space<vmem>>) target_semaphore(%arg11 : memref<!tpu.dma_semaphore, #tpu.memory_space<semaphore_mem>>)
    %dma_start3A_72 = arith.constant 2 : i32
    %dma_start3A_73 = arith.constant 0 : i32
    %dma_start3A_74 = arith.constant 2 : i32
    %dma_start3A_75 = arith.constant 0 : i32
    %dma_start3A_76 = arith.constant 0 : i32
    %dma_start3A_77 = tpu.memref_slice %arg7[%dma_start3A_73, %dma_start3A_74, %dma_start3A_75, %dma_start3A_76] : memref<2x5x16x512xf32, #tpu.memory_space<vmem>> -> memref<1x1x16x512xf32, #tpu.memory_space<vmem>>
    %dma_start3A_78 = tpu.memref_squeeze %dma_start3A_77 : memref<1x1x16x512xf32, #tpu.memory_space<vmem>> -> memref<16x512xf32, #tpu.memory_space<vmem>>
    %dma_start3A_79 = arith.constant 0 : i32
    %dma_start3A_80 = tpu.memref_slice %arg2[%select_n3A, %dma_start3A_72, %add3A_38, %dma_start3A_79] : memref<8x5x512x512xf32, #tpu.memory_space<hbm>> -> memref<1x1x16x512xf32, #tpu.memory_space<hbm>>
    %dma_start3A_81 = tpu.memref_squeeze %dma_start3A_80 : memref<1x1x16x512xf32, #tpu.memory_space<hbm>> -> memref<16x512xf32, #tpu.memory_space<hbm>>
    %dma_start3A_82 = arith.constant 0 : i32
    %dma_start3A_83 = arith.constant 0 : i32
    %dma_start3A_84 = tpu.memref_slice %arg7[%dma_start3A_73, %dma_start3A_74, %dma_start3A_82, %dma_start3A_83] : memref<2x5x16x512xf32, #tpu.memory_space<vmem>> -> memref<1x1x16x512xf32, #tpu.memory_space<vmem>>
    %dma_start3A_85 = tpu.memref_squeeze %dma_start3A_84 : memref<1x1x16x512xf32, #tpu.memory_space<vmem>> -> memref<16x512xf32, #tpu.memory_space<vmem>>
    %dma_start3A_86 = arith.constant 0 : i32
    %dma_start3A_87 = tpu.memref_slice %arg2[%select_n3A, %dma_start3A_72, %add3A_38, %dma_start3A_86] : memref<8x5x512x512xf32, #tpu.memory_space<hbm>> -> memref<1x1x16x512xf32, #tpu.memory_space<hbm>>
    %dma_start3A_88 = tpu.memref_squeeze %dma_start3A_87 : memref<1x1x16x512xf32, #tpu.memory_space<hbm>> -> memref<16x512xf32, #tpu.memory_space<hbm>>
    tpu.enqueue_dma source(%dma_start3A_88 : memref<16x512xf32, #tpu.memory_space<hbm>>) target(%dma_start3A_85 : memref<16x512xf32, #tpu.memory_space<vmem>>) target_semaphore(%arg11 : memref<!tpu.dma_semaphore, #tpu.memory_space<semaphore_mem>>)
    %dma_start3A_89 = arith.constant 3 : i32
    %dma_start3A_90 = arith.constant 0 : i32
    %dma_start3A_91 = arith.constant 3 : i32
    %dma_start3A_92 = arith.constant 0 : i32
    %dma_start3A_93 = arith.constant 0 : i32
    %dma_start3A_94 = tpu.memref_slice %arg7[%dma_start3A_90, %dma_start3A_91, %dma_start3A_92, %dma_start3A_93] : memref<2x5x16x512xf32, #tpu.memory_space<vmem>> -> memref<1x1x16x512xf32, #tpu.memory_space<vmem>>
    %dma_start3A_95 = tpu.memref_squeeze %dma_start3A_94 : memref<1x1x16x512xf32, #tpu.memory_space<vmem>> -> memref<16x512xf32, #tpu.memory_space<vmem>>
    %dma_start3A_96 = arith.constant 0 : i32
    %dma_start3A_97 = tpu.memref_slice %arg2[%select_n3A, %dma_start3A_89, %add3A_38, %dma_start3A_96] : memref<8x5x512x512xf32, #tpu.memory_space<hbm>> -> memref<1x1x16x512xf32, #tpu.memory_space<hbm>>
    %dma_start3A_98 = tpu.memref_squeeze %dma_start3A_97 : memref<1x1x16x512xf32, #tpu.memory_space<hbm>> -> memref<16x512xf32, #tpu.memory_space<hbm>>
    %dma_start3A_99 = arith.constant 0 : i32
    %dma_start3A_100 = arith.constant 0 : i32
    %dma_start3A_101 = tpu.memref_slice %arg7[%dma_start3A_90, %dma_start3A_91, %dma_start3A_99, %dma_start3A_100] : memref<2x5x16x512xf32, #tpu.memory_space<vmem>> -> memref<1x1x16x512xf32, #tpu.memory_space<vmem>>
    %dma_start3A_102 = tpu.memref_squeeze %dma_start3A_101 : memref<1x1x16x512xf32, #tpu.memory_space<vmem>> -> memref<16x512xf32, #tpu.memory_space<vmem>>
    %dma_start3A_103 = arith.constant 0 : i32
    %dma_start3A_104 = tpu.memref_slice %arg2[%select_n3A, %dma_start3A_89, %add3A_38, %dma_start3A_103] : memref<8x5x512x512xf32, #tpu.memory_space<hbm>> -> memref<1x1x16x512xf32, #tpu.memory_space<hbm>>
    %dma_start3A_105 = tpu.memref_squeeze %dma_start3A_104 : memref<1x1x16x512xf32, #tpu.memory_space<hbm>> -> memref<16x512xf32, #tpu.memory_space<hbm>>
    tpu.enqueue_dma source(%dma_start3A_105 : memref<16x512xf32, #tpu.memory_space<hbm>>) target(%dma_start3A_102 : memref<16x512xf32, #tpu.memory_space<vmem>>) target_semaphore(%arg11 : memref<!tpu.dma_semaphore, #tpu.memory_space<semaphore_mem>>)
    %dma_start3A_106 = arith.constant 4 : i32
    %dma_start3A_107 = arith.constant 0 : i32
    %dma_start3A_108 = arith.constant 4 : i32
    %dma_start3A_109 = arith.constant 0 : i32
    %dma_start3A_110 = arith.constant 0 : i32
    %dma_start3A_111 = tpu.memref_slice %arg7[%dma_start3A_107, %dma_start3A_108, %dma_start3A_109, %dma_start3A_110] : memref<2x5x16x512xf32, #tpu.memory_space<vmem>> -> memref<1x1x16x512xf32, #tpu.memory_space<vmem>>
    %dma_start3A_112 = tpu.memref_squeeze %dma_start3A_111 : memref<1x1x16x512xf32, #tpu.memory_space<vmem>> -> memref<16x512xf32, #tpu.memory_space<vmem>>
    %dma_start3A_113 = arith.constant 0 : i32
    %dma_start3A_114 = tpu.memref_slice %arg2[%select_n3A, %dma_start3A_106, %add3A_38, %dma_start3A_113] : memref<8x5x512x512xf32, #tpu.memory_space<hbm>> -> memref<1x1x16x512xf32, #tpu.memory_space<hbm>>
    %dma_start3A_115 = tpu.memref_squeeze %dma_start3A_114 : memref<1x1x16x512xf32, #tpu.memory_space<hbm>> -> memref<16x512xf32, #tpu.memory_space<hbm>>
    %dma_start3A_116 = arith.constant 0 : i32
    %dma_start3A_117 = arith.constant 0 : i32
    %dma_start3A_118 = tpu.memref_slice %arg7[%dma_start3A_107, %dma_start3A_108, %dma_start3A_116, %dma_start3A_117] : memref<2x5x16x512xf32, #tpu.memory_space<vmem>> -> memref<1x1x16x512xf32, #tpu.memory_space<vmem>>
    %dma_start3A_119 = tpu.memref_squeeze %dma_start3A_118 : memref<1x1x16x512xf32, #tpu.memory_space<vmem>> -> memref<16x512xf32, #tpu.memory_space<vmem>>
    %dma_start3A_120 = arith.constant 0 : i32
    %dma_start3A_121 = tpu.memref_slice %arg2[%select_n3A, %dma_start3A_106, %add3A_38, %dma_start3A_120] : memref<8x5x512x512xf32, #tpu.memory_space<hbm>> -> memref<1x1x16x512xf32, #tpu.memory_space<hbm>>
    %dma_start3A_122 = tpu.memref_squeeze %dma_start3A_121 : memref<1x1x16x512xf32, #tpu.memory_space<hbm>> -> memref<16x512xf32, #tpu.memory_space<hbm>>
    tpu.enqueue_dma source(%dma_start3A_122 : memref<16x512xf32, #tpu.memory_space<hbm>>) target(%dma_start3A_119 : memref<16x512xf32, #tpu.memory_space<vmem>>) target_semaphore(%arg11 : memref<!tpu.dma_semaphore, #tpu.memory_space<semaphore_mem>>)
    %dma_start3A_123 = arith.constant 0 : i32
    %dma_start3A_124 = arith.constant 0 : i32
    %dma_start3A_125 = arith.constant 0 : i32
    %dma_start3A_126 = tpu.memref_slice %arg8[%dma_start3A_123, %dma_start3A_124, %dma_start3A_125] : memref<2x16x512xi32, #tpu.memory_space<vmem>> -> memref<1x16x512xi32, #tpu.memory_space<vmem>>
    %dma_start3A_127 = tpu.memref_squeeze %dma_start3A_126 : memref<1x16x512xi32, #tpu.memory_space<vmem>> -> memref<16x512xi32, #tpu.memory_space<vmem>>
    %dma_start3A_128 = arith.constant 0 : i32
    %dma_start3A_129 = tpu.memref_slice %arg3[%select_n3A, %add3A_38, %dma_start3A_128] : memref<8x512x512xi32, #tpu.memory_space<hbm>> -> memref<1x16x512xi32, #tpu.memory_space<hbm>>
    %dma_start3A_130 = tpu.memref_squeeze %dma_start3A_129 : memref<1x16x512xi32, #tpu.memory_space<hbm>> -> memref<16x512xi32, #tpu.memory_space<hbm>>
    %dma_start3A_131 = arith.constant 0 : i32
    %dma_start3A_132 = arith.constant 0 : i32
    %dma_start3A_133 = tpu.memref_slice %arg8[%dma_start3A_123, %dma_start3A_131, %dma_start3A_132] : memref<2x16x512xi32, #tpu.memory_space<vmem>> -> memref<1x16x512xi32, #tpu.memory_space<vmem>>
    %dma_start3A_134 = tpu.memref_squeeze %dma_start3A_133 : memref<1x16x512xi32, #tpu.memory_space<vmem>> -> memref<16x512xi32, #tpu.memory_space<vmem>>
    %dma_start3A_135 = arith.constant 0 : i32
    %dma_start3A_136 = tpu.memref_slice %arg3[%select_n3A, %add3A_38, %dma_start3A_135] : memref<8x512x512xi32, #tpu.memory_space<hbm>> -> memref<1x16x512xi32, #tpu.memory_space<hbm>>
    %dma_start3A_137 = tpu.memref_squeeze %dma_start3A_136 : memref<1x16x512xi32, #tpu.memory_space<hbm>> -> memref<16x512xi32, #tpu.memory_space<hbm>>
    tpu.enqueue_dma source(%dma_start3A_137 : memref<16x512xi32, #tpu.memory_space<hbm>>) target(%dma_start3A_134 : memref<16x512xi32, #tpu.memory_space<vmem>>) target_semaphore(%arg11 : memref<!tpu.dma_semaphore, #tpu.memory_space<semaphore_mem>>)
    %scan3A = arith.constant 0 : i32
    %scan3A_138 = arith.constant 8 : i32
    %scan3A_139 = arith.addi %scan3A, %scan3A_138 : i32
    %scan3A_140 = arith.constant 1 : i32
    %scan3A_141:2 = scf.for %scan3A_150 = %scan3A to %scan3A_139 step %scan3A_140 iter_args(%scan3A_151 = %broadcast_in_dim3A_34, %scan3A_152 = %broadcast_in_dim3A_36) -> (vector<16xf32>, vector<16xi32>)  : i32 {
      %rem3A_153 = arith.constant 2 : i32
      %rem3A_154 = arith.remsi %scan3A_150, %rem3A_153 : i32
      %mul3A_155 = arith.constant 16 : i32
      %mul3A_156 = arith.muli %scan3A_150, %mul3A_155 : i32
      %add3A_157 = arith.addi %mul3A_32, %mul3A_156 : i32
      %dma_wait3A = arith.constant 0 : i32
      %dma_wait3A_158 = arith.constant 0 : i32
      %dma_wait3A_159 = arith.constant 0 : i32
      %dma_wait3A_160 = arith.constant 0 : i32
      %dma_wait3A_161 = tpu.memref_slice %arg7[%rem3A_154, %dma_wait3A_158, %dma_wait3A_159, %dma_wait3A_160] : memref<2x5x16x512xf32, #tpu.memory_space<vmem>> -> memref<1x1x16x512xf32, #tpu.memory_space<vmem>>
      %dma_wait3A_162 = tpu.memref_squeeze %dma_wait3A_161 : memref<1x1x16x512xf32, #tpu.memory_space<vmem>> -> memref<16x512xf32, #tpu.memory_space<vmem>>
      %dma_wait3A_163 = arith.constant 0 : i32
      %dma_wait3A_164 = tpu.memref_slice %arg2[%select_n3A, %dma_wait3A, %add3A_157, %dma_wait3A_163] : memref<8x5x512x512xf32, #tpu.memory_space<hbm>> -> memref<1x1x16x512xf32, #tpu.memory_space<hbm>>
      %dma_wait3A_165 = tpu.memref_squeeze %dma_wait3A_164 : memref<1x1x16x512xf32, #tpu.memory_space<hbm>> -> memref<16x512xf32, #tpu.memory_space<hbm>>
      %dma_wait3A_166 = arith.constant 0 : i32
      %dma_wait3A_167 = arith.constant 0 : i32
      %dma_wait3A_168 = tpu.memref_slice %arg7[%rem3A_154, %dma_wait3A_158, %dma_wait3A_166, %dma_wait3A_167] : memref<2x5x16x512xf32, #tpu.memory_space<vmem>> -> memref<1x1x16x512xf32, #tpu.memory_space<vmem>>
      %dma_wait3A_169 = tpu.memref_squeeze %dma_wait3A_168 : memref<1x1x16x512xf32, #tpu.memory_space<vmem>> -> memref<16x512xf32, #tpu.memory_space<vmem>>
      %dma_wait3A_170 = arith.constant 0 : i32
      %dma_wait3A_171 = tpu.memref_slice %arg2[%select_n3A, %dma_wait3A, %add3A_157, %dma_wait3A_170] : memref<8x5x512x512xf32, #tpu.memory_space<hbm>> -> memref<1x1x16x512xf32, #tpu.memory_space<hbm>>
      %dma_wait3A_172 = tpu.memref_squeeze %dma_wait3A_171 : memref<1x1x16x512xf32, #tpu.memory_space<hbm>> -> memref<16x512xf32, #tpu.memory_space<hbm>>
      tpu.wait_dma2 semaphore(%arg11 : memref<!tpu.dma_semaphore, #tpu.memory_space<semaphore_mem>>) src(%dma_wait3A_172 : memref<16x512xf32, #tpu.memory_space<hbm>>) dst(%dma_wait3A_169 : memref<16x512xf32, #tpu.memory_space<vmem>>)
      %dma_wait3A_173 = arith.constant 1 : i32
      %dma_wait3A_174 = arith.constant 1 : i32
      %dma_wait3A_175 = arith.constant 0 : i32
      %dma_wait3A_176 = arith.constant 0 : i32
      %dma_wait3A_177 = tpu.memref_slice %arg7[%rem3A_154, %dma_wait3A_174, %dma_wait3A_175, %dma_wait3A_176] : memref<2x5x16x512xf32, #tpu.memory_space<vmem>> -> memref<1x1x16x512xf32, #tpu.memory_space<vmem>>
      %dma_wait3A_178 = tpu.memref_squeeze %dma_wait3A_177 : memref<1x1x16x512xf32, #tpu.memory_space<vmem>> -> memref<16x512xf32, #tpu.memory_space<vmem>>
      %dma_wait3A_179 = arith.constant 0 : i32
      %dma_wait3A_180 = tpu.memref_slice %arg2[%select_n3A, %dma_wait3A_173, %add3A_157, %dma_wait3A_179] : memref<8x5x512x512xf32, #tpu.memory_space<hbm>> -> memref<1x1x16x512xf32, #tpu.memory_space<hbm>>
      %dma_wait3A_181 = tpu.memref_squeeze %dma_wait3A_180 : memref<1x1x16x512xf32, #tpu.memory_space<hbm>> -> memref<16x512xf32, #tpu.memory_space<hbm>>
      %dma_wait3A_182 = arith.constant 0 : i32
      %dma_wait3A_183 = arith.constant 0 : i32
      %dma_wait3A_184 = tpu.memref_slice %arg7[%rem3A_154, %dma_wait3A_174, %dma_wait3A_182, %dma_wait3A_183] : memref<2x5x16x512xf32, #tpu.memory_space<vmem>> -> memref<1x1x16x512xf32, #tpu.memory_space<vmem>>
      %dma_wait3A_185 = tpu.memref_squeeze %dma_wait3A_184 : memref<1x1x16x512xf32, #tpu.memory_space<vmem>> -> memref<16x512xf32, #tpu.memory_space<vmem>>
      %dma_wait3A_186 = arith.constant 0 : i32
      %dma_wait3A_187 = tpu.memref_slice %arg2[%select_n3A, %dma_wait3A_173, %add3A_157, %dma_wait3A_186] : memref<8x5x512x512xf32, #tpu.memory_space<hbm>> -> memref<1x1x16x512xf32, #tpu.memory_space<hbm>>
      %dma_wait3A_188 = tpu.memref_squeeze %dma_wait3A_187 : memref<1x1x16x512xf32, #tpu.memory_space<hbm>> -> memref<16x512xf32, #tpu.memory_space<hbm>>
      tpu.wait_dma2 semaphore(%arg11 : memref<!tpu.dma_semaphore, #tpu.memory_space<semaphore_mem>>) src(%dma_wait3A_188 : memref<16x512xf32, #tpu.memory_space<hbm>>) dst(%dma_wait3A_185 : memref<16x512xf32, #tpu.memory_space<vmem>>)
      %dma_wait3A_189 = arith.constant 2 : i32
      %dma_wait3A_190 = arith.constant 2 : i32
      %dma_wait3A_191 = arith.constant 0 : i32
      %dma_wait3A_192 = arith.constant 0 : i32
      %dma_wait3A_193 = tpu.memref_slice %arg7[%rem3A_154, %dma_wait3A_190, %dma_wait3A_191, %dma_wait3A_192] : memref<2x5x16x512xf32, #tpu.memory_space<vmem>> -> memref<1x1x16x512xf32, #tpu.memory_space<vmem>>
      %dma_wait3A_194 = tpu.memref_squeeze %dma_wait3A_193 : memref<1x1x16x512xf32, #tpu.memory_space<vmem>> -> memref<16x512xf32, #tpu.memory_space<vmem>>
      %dma_wait3A_195 = arith.constant 0 : i32
      %dma_wait3A_196 = tpu.memref_slice %arg2[%select_n3A, %dma_wait3A_189, %add3A_157, %dma_wait3A_195] : memref<8x5x512x512xf32, #tpu.memory_space<hbm>> -> memref<1x1x16x512xf32, #tpu.memory_space<hbm>>
      %dma_wait3A_197 = tpu.memref_squeeze %dma_wait3A_196 : memref<1x1x16x512xf32, #tpu.memory_space<hbm>> -> memref<16x512xf32, #tpu.memory_space<hbm>>
      %dma_wait3A_198 = arith.constant 0 : i32
      %dma_wait3A_199 = arith.constant 0 : i32
      %dma_wait3A_200 = tpu.memref_slice %arg7[%rem3A_154, %dma_wait3A_190, %dma_wait3A_198, %dma_wait3A_199] : memref<2x5x16x512xf32, #tpu.memory_space<vmem>> -> memref<1x1x16x512xf32, #tpu.memory_space<vmem>>
      %dma_wait3A_201 = tpu.memref_squeeze %dma_wait3A_200 : memref<1x1x16x512xf32, #tpu.memory_space<vmem>> -> memref<16x512xf32, #tpu.memory_space<vmem>>
      %dma_wait3A_202 = arith.constant 0 : i32
      %dma_wait3A_203 = tpu.memref_slice %arg2[%select_n3A, %dma_wait3A_189, %add3A_157, %dma_wait3A_202] : memref<8x5x512x512xf32, #tpu.memory_space<hbm>> -> memref<1x1x16x512xf32, #tpu.memory_space<hbm>>
      %dma_wait3A_204 = tpu.memref_squeeze %dma_wait3A_203 : memref<1x1x16x512xf32, #tpu.memory_space<hbm>> -> memref<16x512xf32, #tpu.memory_space<hbm>>
      tpu.wait_dma2 semaphore(%arg11 : memref<!tpu.dma_semaphore, #tpu.memory_space<semaphore_mem>>) src(%dma_wait3A_204 : memref<16x512xf32, #tpu.memory_space<hbm>>) dst(%dma_wait3A_201 : memref<16x512xf32, #tpu.memory_space<vmem>>)
      %dma_wait3A_205 = arith.constant 3 : i32
      %dma_wait3A_206 = arith.constant 3 : i32
      %dma_wait3A_207 = arith.constant 0 : i32
      %dma_wait3A_208 = arith.constant 0 : i32
      %dma_wait3A_209 = tpu.memref_slice %arg7[%rem3A_154, %dma_wait3A_206, %dma_wait3A_207, %dma_wait3A_208] : memref<2x5x16x512xf32, #tpu.memory_space<vmem>> -> memref<1x1x16x512xf32, #tpu.memory_space<vmem>>
      %dma_wait3A_210 = tpu.memref_squeeze %dma_wait3A_209 : memref<1x1x16x512xf32, #tpu.memory_space<vmem>> -> memref<16x512xf32, #tpu.memory_space<vmem>>
      %dma_wait3A_211 = arith.constant 0 : i32
      %dma_wait3A_212 = tpu.memref_slice %arg2[%select_n3A, %dma_wait3A_205, %add3A_157, %dma_wait3A_211] : memref<8x5x512x512xf32, #tpu.memory_space<hbm>> -> memref<1x1x16x512xf32, #tpu.memory_space<hbm>>
      %dma_wait3A_213 = tpu.memref_squeeze %dma_wait3A_212 : memref<1x1x16x512xf32, #tpu.memory_space<hbm>> -> memref<16x512xf32, #tpu.memory_space<hbm>>
      %dma_wait3A_214 = arith.constant 0 : i32
      %dma_wait3A_215 = arith.constant 0 : i32
      %dma_wait3A_216 = tpu.memref_slice %arg7[%rem3A_154, %dma_wait3A_206, %dma_wait3A_214, %dma_wait3A_215] : memref<2x5x16x512xf32, #tpu.memory_space<vmem>> -> memref<1x1x16x512xf32, #tpu.memory_space<vmem>>
      %dma_wait3A_217 = tpu.memref_squeeze %dma_wait3A_216 : memref<1x1x16x512xf32, #tpu.memory_space<vmem>> -> memref<16x512xf32, #tpu.memory_space<vmem>>
      %dma_wait3A_218 = arith.constant 0 : i32
      %dma_wait3A_219 = tpu.memref_slice %arg2[%select_n3A, %dma_wait3A_205, %add3A_157, %dma_wait3A_218] : memref<8x5x512x512xf32, #tpu.memory_space<hbm>> -> memref<1x1x16x512xf32, #tpu.memory_space<hbm>>
      %dma_wait3A_220 = tpu.memref_squeeze %dma_wait3A_219 : memref<1x1x16x512xf32, #tpu.memory_space<hbm>> -> memref<16x512xf32, #tpu.memory_space<hbm>>
      tpu.wait_dma2 semaphore(%arg11 : memref<!tpu.dma_semaphore, #tpu.memory_space<semaphore_mem>>) src(%dma_wait3A_220 : memref<16x512xf32, #tpu.memory_space<hbm>>) dst(%dma_wait3A_217 : memref<16x512xf32, #tpu.memory_space<vmem>>)
      %dma_wait3A_221 = arith.constant 4 : i32
      %dma_wait3A_222 = arith.constant 4 : i32
      %dma_wait3A_223 = arith.constant 0 : i32
      %dma_wait3A_224 = arith.constant 0 : i32
      %dma_wait3A_225 = tpu.memref_slice %arg7[%rem3A_154, %dma_wait3A_222, %dma_wait3A_223, %dma_wait3A_224] : memref<2x5x16x512xf32, #tpu.memory_space<vmem>> -> memref<1x1x16x512xf32, #tpu.memory_space<vmem>>
      %dma_wait3A_226 = tpu.memref_squeeze %dma_wait3A_225 : memref<1x1x16x512xf32, #tpu.memory_space<vmem>> -> memref<16x512xf32, #tpu.memory_space<vmem>>
      %dma_wait3A_227 = arith.constant 0 : i32
      %dma_wait3A_228 = tpu.memref_slice %arg2[%select_n3A, %dma_wait3A_221, %add3A_157, %dma_wait3A_227] : memref<8x5x512x512xf32, #tpu.memory_space<hbm>> -> memref<1x1x16x512xf32, #tpu.memory_space<hbm>>
      %dma_wait3A_229 = tpu.memref_squeeze %dma_wait3A_228 : memref<1x1x16x512xf32, #tpu.memory_space<hbm>> -> memref<16x512xf32, #tpu.memory_space<hbm>>
      %dma_wait3A_230 = arith.constant 0 : i32
      %dma_wait3A_231 = arith.constant 0 : i32
      %dma_wait3A_232 = tpu.memref_slice %arg7[%rem3A_154, %dma_wait3A_222, %dma_wait3A_230, %dma_wait3A_231] : memref<2x5x16x512xf32, #tpu.memory_space<vmem>> -> memref<1x1x16x512xf32, #tpu.memory_space<vmem>>
      %dma_wait3A_233 = tpu.memref_squeeze %dma_wait3A_232 : memref<1x1x16x512xf32, #tpu.memory_space<vmem>> -> memref<16x512xf32, #tpu.memory_space<vmem>>
      %dma_wait3A_234 = arith.constant 0 : i32
      %dma_wait3A_235 = tpu.memref_slice %arg2[%select_n3A, %dma_wait3A_221, %add3A_157, %dma_wait3A_234] : memref<8x5x512x512xf32, #tpu.memory_space<hbm>> -> memref<1x1x16x512xf32, #tpu.memory_space<hbm>>
      %dma_wait3A_236 = tpu.memref_squeeze %dma_wait3A_235 : memref<1x1x16x512xf32, #tpu.memory_space<hbm>> -> memref<16x512xf32, #tpu.memory_space<hbm>>
      tpu.wait_dma2 semaphore(%arg11 : memref<!tpu.dma_semaphore, #tpu.memory_space<semaphore_mem>>) src(%dma_wait3A_236 : memref<16x512xf32, #tpu.memory_space<hbm>>) dst(%dma_wait3A_233 : memref<16x512xf32, #tpu.memory_space<vmem>>)
      %dma_wait3A_237 = arith.constant 0 : i32
      %dma_wait3A_238 = arith.constant 0 : i32
      %dma_wait3A_239 = tpu.memref_slice %arg8[%rem3A_154, %dma_wait3A_237, %dma_wait3A_238] : memref<2x16x512xi32, #tpu.memory_space<vmem>> -> memref<1x16x512xi32, #tpu.memory_space<vmem>>
      %dma_wait3A_240 = tpu.memref_squeeze %dma_wait3A_239 : memref<1x16x512xi32, #tpu.memory_space<vmem>> -> memref<16x512xi32, #tpu.memory_space<vmem>>
      %dma_wait3A_241 = arith.constant 0 : i32
      %dma_wait3A_242 = tpu.memref_slice %arg3[%select_n3A, %add3A_157, %dma_wait3A_241] : memref<8x512x512xi32, #tpu.memory_space<hbm>> -> memref<1x16x512xi32, #tpu.memory_space<hbm>>
      %dma_wait3A_243 = tpu.memref_squeeze %dma_wait3A_242 : memref<1x16x512xi32, #tpu.memory_space<hbm>> -> memref<16x512xi32, #tpu.memory_space<hbm>>
      %dma_wait3A_244 = arith.constant 0 : i32
      %dma_wait3A_245 = arith.constant 0 : i32
      %dma_wait3A_246 = tpu.memref_slice %arg8[%rem3A_154, %dma_wait3A_244, %dma_wait3A_245] : memref<2x16x512xi32, #tpu.memory_space<vmem>> -> memref<1x16x512xi32, #tpu.memory_space<vmem>>
      %dma_wait3A_247 = tpu.memref_squeeze %dma_wait3A_246 : memref<1x16x512xi32, #tpu.memory_space<vmem>> -> memref<16x512xi32, #tpu.memory_space<vmem>>
      %dma_wait3A_248 = arith.constant 0 : i32
      %dma_wait3A_249 = tpu.memref_slice %arg3[%select_n3A, %add3A_157, %dma_wait3A_248] : memref<8x512x512xi32, #tpu.memory_space<hbm>> -> memref<1x16x512xi32, #tpu.memory_space<hbm>>
      %dma_wait3A_250 = tpu.memref_squeeze %dma_wait3A_249 : memref<1x16x512xi32, #tpu.memory_space<hbm>> -> memref<16x512xi32, #tpu.memory_space<hbm>>
      tpu.wait_dma2 semaphore(%arg11 : memref<!tpu.dma_semaphore, #tpu.memory_space<semaphore_mem>>) src(%dma_wait3A_250 : memref<16x512xi32, #tpu.memory_space<hbm>>) dst(%dma_wait3A_247 : memref<16x512xi32, #tpu.memory_space<vmem>>)
      %add3A_251 = arith.constant 1 : i32
      %add3A_252 = arith.addi %scan3A_150, %add3A_251 : i32
      %lt3A_253 = arith.constant 8 : i32
      %lt3A_254 = arith.cmpi slt, %add3A_252, %lt3A_253 : i32
      %convert_element_type3A_255 = arith.extui %lt3A_254 : i1 to i32
      %cond3A = arith.constant 0 : i32
      %cond3A_256 = arith.cmpi ne, %convert_element_type3A_255, %cond3A : i32
      scf.if %cond3A_256 {
        %add3A_263 = arith.constant 1 : i32
        %add3A_264 = arith.addi %scan3A_150, %add3A_263 : i32
        %sub3A_265 = arith.constant 1 : i32
        %sub3A_266 = arith.subi %sub3A_265, %rem3A_154 : i32
        %mul3A_267 = arith.constant 16 : i32
        %mul3A_268 = arith.muli %add3A_264, %mul3A_267 : i32
        %add3A_269 = arith.addi %mul3A_32, %mul3A_268 : i32
        %dma_start3A_270 = arith.constant 0 : i32
        %dma_start3A_271 = arith.constant 0 : i32
        %dma_start3A_272 = arith.constant 0 : i32
        %dma_start3A_273 = arith.constant 0 : i32
        %dma_start3A_274 = tpu.memref_slice %arg7[%sub3A_266, %dma_start3A_271, %dma_start3A_272, %dma_start3A_273] : memref<2x5x16x512xf32, #tpu.memory_space<vmem>> -> memref<1x1x16x512xf32, #tpu.memory_space<vmem>>
        %dma_start3A_275 = tpu.memref_squeeze %dma_start3A_274 : memref<1x1x16x512xf32, #tpu.memory_space<vmem>> -> memref<16x512xf32, #tpu.memory_space<vmem>>
        %dma_start3A_276 = arith.constant 0 : i32
        %dma_start3A_277 = tpu.memref_slice %arg2[%select_n3A, %dma_start3A_270, %add3A_269, %dma_start3A_276] : memref<8x5x512x512xf32, #tpu.memory_space<hbm>> -> memref<1x1x16x512xf32, #tpu.memory_space<hbm>>
        %dma_start3A_278 = tpu.memref_squeeze %dma_start3A_277 : memref<1x1x16x512xf32, #tpu.memory_space<hbm>> -> memref<16x512xf32, #tpu.memory_space<hbm>>
        %dma_start3A_279 = arith.constant 0 : i32
        %dma_start3A_280 = arith.constant 0 : i32
        %dma_start3A_281 = tpu.memref_slice %arg7[%sub3A_266, %dma_start3A_271, %dma_start3A_279, %dma_start3A_280] : memref<2x5x16x512xf32, #tpu.memory_space<vmem>> -> memref<1x1x16x512xf32, #tpu.memory_space<vmem>>
        %dma_start3A_282 = tpu.memref_squeeze %dma_start3A_281 : memref<1x1x16x512xf32, #tpu.memory_space<vmem>> -> memref<16x512xf32, #tpu.memory_space<vmem>>
        %dma_start3A_283 = arith.constant 0 : i32
        %dma_start3A_284 = tpu.memref_slice %arg2[%select_n3A, %dma_start3A_270, %add3A_269, %dma_start3A_283] : memref<8x5x512x512xf32, #tpu.memory_space<hbm>> -> memref<1x1x16x512xf32, #tpu.memory_space<hbm>>
        %dma_start3A_285 = tpu.memref_squeeze %dma_start3A_284 : memref<1x1x16x512xf32, #tpu.memory_space<hbm>> -> memref<16x512xf32, #tpu.memory_space<hbm>>
        tpu.enqueue_dma source(%dma_start3A_285 : memref<16x512xf32, #tpu.memory_space<hbm>>) target(%dma_start3A_282 : memref<16x512xf32, #tpu.memory_space<vmem>>) target_semaphore(%arg11 : memref<!tpu.dma_semaphore, #tpu.memory_space<semaphore_mem>>)
        %dma_start3A_286 = arith.constant 1 : i32
        %dma_start3A_287 = arith.constant 1 : i32
        %dma_start3A_288 = arith.constant 0 : i32
        %dma_start3A_289 = arith.constant 0 : i32
        %dma_start3A_290 = tpu.memref_slice %arg7[%sub3A_266, %dma_start3A_287, %dma_start3A_288, %dma_start3A_289] : memref<2x5x16x512xf32, #tpu.memory_space<vmem>> -> memref<1x1x16x512xf32, #tpu.memory_space<vmem>>
        %dma_start3A_291 = tpu.memref_squeeze %dma_start3A_290 : memref<1x1x16x512xf32, #tpu.memory_space<vmem>> -> memref<16x512xf32, #tpu.memory_space<vmem>>
        %dma_start3A_292 = arith.constant 0 : i32
        %dma_start3A_293 = tpu.memref_slice %arg2[%select_n3A, %dma_start3A_286, %add3A_269, %dma_start3A_292] : memref<8x5x512x512xf32, #tpu.memory_space<hbm>> -> memref<1x1x16x512xf32, #tpu.memory_space<hbm>>
        %dma_start3A_294 = tpu.memref_squeeze %dma_start3A_293 : memref<1x1x16x512xf32, #tpu.memory_space<hbm>> -> memref<16x512xf32, #tpu.memory_space<hbm>>
        %dma_start3A_295 = arith.constant 0 : i32
        %dma_start3A_296 = arith.constant 0 : i32
        %dma_start3A_297 = tpu.memref_slice %arg7[%sub3A_266, %dma_start3A_287, %dma_start3A_295, %dma_start3A_296] : memref<2x5x16x512xf32, #tpu.memory_space<vmem>> -> memref<1x1x16x512xf32, #tpu.memory_space<vmem>>
        %dma_start3A_298 = tpu.memref_squeeze %dma_start3A_297 : memref<1x1x16x512xf32, #tpu.memory_space<vmem>> -> memref<16x512xf32, #tpu.memory_space<vmem>>
        %dma_start3A_299 = arith.constant 0 : i32
        %dma_start3A_300 = tpu.memref_slice %arg2[%select_n3A, %dma_start3A_286, %add3A_269, %dma_start3A_299] : memref<8x5x512x512xf32, #tpu.memory_space<hbm>> -> memref<1x1x16x512xf32, #tpu.memory_space<hbm>>
        %dma_start3A_301 = tpu.memref_squeeze %dma_start3A_300 : memref<1x1x16x512xf32, #tpu.memory_space<hbm>> -> memref<16x512xf32, #tpu.memory_space<hbm>>
        tpu.enqueue_dma source(%dma_start3A_301 : memref<16x512xf32, #tpu.memory_space<hbm>>) target(%dma_start3A_298 : memref<16x512xf32, #tpu.memory_space<vmem>>) target_semaphore(%arg11 : memref<!tpu.dma_semaphore, #tpu.memory_space<semaphore_mem>>)
        %dma_start3A_302 = arith.constant 2 : i32
        %dma_start3A_303 = arith.constant 2 : i32
        %dma_start3A_304 = arith.constant 0 : i32
        %dma_start3A_305 = arith.constant 0 : i32
        %dma_start3A_306 = tpu.memref_slice %arg7[%sub3A_266, %dma_start3A_303, %dma_start3A_304, %dma_start3A_305] : memref<2x5x16x512xf32, #tpu.memory_space<vmem>> -> memref<1x1x16x512xf32, #tpu.memory_space<vmem>>
        %dma_start3A_307 = tpu.memref_squeeze %dma_start3A_306 : memref<1x1x16x512xf32, #tpu.memory_space<vmem>> -> memref<16x512xf32, #tpu.memory_space<vmem>>
        %dma_start3A_308 = arith.constant 0 : i32
        %dma_start3A_309 = tpu.memref_slice %arg2[%select_n3A, %dma_start3A_302, %add3A_269, %dma_start3A_308] : memref<8x5x512x512xf32, #tpu.memory_space<hbm>> -> memref<1x1x16x512xf32, #tpu.memory_space<hbm>>
        %dma_start3A_310 = tpu.memref_squeeze %dma_start3A_309 : memref<1x1x16x512xf32, #tpu.memory_space<hbm>> -> memref<16x512xf32, #tpu.memory_space<hbm>>
        %dma_start3A_311 = arith.constant 0 : i32
        %dma_start3A_312 = arith.constant 0 : i32
        %dma_start3A_313 = tpu.memref_slice %arg7[%sub3A_266, %dma_start3A_303, %dma_start3A_311, %dma_start3A_312] : memref<2x5x16x512xf32, #tpu.memory_space<vmem>> -> memref<1x1x16x512xf32, #tpu.memory_space<vmem>>
        %dma_start3A_314 = tpu.memref_squeeze %dma_start3A_313 : memref<1x1x16x512xf32, #tpu.memory_space<vmem>> -> memref<16x512xf32, #tpu.memory_space<vmem>>
        %dma_start3A_315 = arith.constant 0 : i32
        %dma_start3A_316 = tpu.memref_slice %arg2[%select_n3A, %dma_start3A_302, %add3A_269, %dma_start3A_315] : memref<8x5x512x512xf32, #tpu.memory_space<hbm>> -> memref<1x1x16x512xf32, #tpu.memory_space<hbm>>
        %dma_start3A_317 = tpu.memref_squeeze %dma_start3A_316 : memref<1x1x16x512xf32, #tpu.memory_space<hbm>> -> memref<16x512xf32, #tpu.memory_space<hbm>>
        tpu.enqueue_dma source(%dma_start3A_317 : memref<16x512xf32, #tpu.memory_space<hbm>>) target(%dma_start3A_314 : memref<16x512xf32, #tpu.memory_space<vmem>>) target_semaphore(%arg11 : memref<!tpu.dma_semaphore, #tpu.memory_space<semaphore_mem>>)
        %dma_start3A_318 = arith.constant 3 : i32
        %dma_start3A_319 = arith.constant 3 : i32
        %dma_start3A_320 = arith.constant 0 : i32
        %dma_start3A_321 = arith.constant 0 : i32
        %dma_start3A_322 = tpu.memref_slice %arg7[%sub3A_266, %dma_start3A_319, %dma_start3A_320, %dma_start3A_321] : memref<2x5x16x512xf32, #tpu.memory_space<vmem>> -> memref<1x1x16x512xf32, #tpu.memory_space<vmem>>
        %dma_start3A_323 = tpu.memref_squeeze %dma_start3A_322 : memref<1x1x16x512xf32, #tpu.memory_space<vmem>> -> memref<16x512xf32, #tpu.memory_space<vmem>>
        %dma_start3A_324 = arith.constant 0 : i32
        %dma_start3A_325 = tpu.memref_slice %arg2[%select_n3A, %dma_start3A_318, %add3A_269, %dma_start3A_324] : memref<8x5x512x512xf32, #tpu.memory_space<hbm>> -> memref<1x1x16x512xf32, #tpu.memory_space<hbm>>
        %dma_start3A_326 = tpu.memref_squeeze %dma_start3A_325 : memref<1x1x16x512xf32, #tpu.memory_space<hbm>> -> memref<16x512xf32, #tpu.memory_space<hbm>>
        %dma_start3A_327 = arith.constant 0 : i32
        %dma_start3A_328 = arith.constant 0 : i32
        %dma_start3A_329 = tpu.memref_slice %arg7[%sub3A_266, %dma_start3A_319, %dma_start3A_327, %dma_start3A_328] : memref<2x5x16x512xf32, #tpu.memory_space<vmem>> -> memref<1x1x16x512xf32, #tpu.memory_space<vmem>>
        %dma_start3A_330 = tpu.memref_squeeze %dma_start3A_329 : memref<1x1x16x512xf32, #tpu.memory_space<vmem>> -> memref<16x512xf32, #tpu.memory_space<vmem>>
        %dma_start3A_331 = arith.constant 0 : i32
        %dma_start3A_332 = tpu.memref_slice %arg2[%select_n3A, %dma_start3A_318, %add3A_269, %dma_start3A_331] : memref<8x5x512x512xf32, #tpu.memory_space<hbm>> -> memref<1x1x16x512xf32, #tpu.memory_space<hbm>>
        %dma_start3A_333 = tpu.memref_squeeze %dma_start3A_332 : memref<1x1x16x512xf32, #tpu.memory_space<hbm>> -> memref<16x512xf32, #tpu.memory_space<hbm>>
        tpu.enqueue_dma source(%dma_start3A_333 : memref<16x512xf32, #tpu.memory_space<hbm>>) target(%dma_start3A_330 : memref<16x512xf32, #tpu.memory_space<vmem>>) target_semaphore(%arg11 : memref<!tpu.dma_semaphore, #tpu.memory_space<semaphore_mem>>)
        %dma_start3A_334 = arith.constant 4 : i32
        %dma_start3A_335 = arith.constant 4 : i32
        %dma_start3A_336 = arith.constant 0 : i32
        %dma_start3A_337 = arith.constant 0 : i32
        %dma_start3A_338 = tpu.memref_slice %arg7[%sub3A_266, %dma_start3A_335, %dma_start3A_336, %dma_start3A_337] : memref<2x5x16x512xf32, #tpu.memory_space<vmem>> -> memref<1x1x16x512xf32, #tpu.memory_space<vmem>>
        %dma_start3A_339 = tpu.memref_squeeze %dma_start3A_338 : memref<1x1x16x512xf32, #tpu.memory_space<vmem>> -> memref<16x512xf32, #tpu.memory_space<vmem>>
        %dma_start3A_340 = arith.constant 0 : i32
        %dma_start3A_341 = tpu.memref_slice %arg2[%select_n3A, %dma_start3A_334, %add3A_269, %dma_start3A_340] : memref<8x5x512x512xf32, #tpu.memory_space<hbm>> -> memref<1x1x16x512xf32, #tpu.memory_space<hbm>>
        %dma_start3A_342 = tpu.memref_squeeze %dma_start3A_341 : memref<1x1x16x512xf32, #tpu.memory_space<hbm>> -> memref<16x512xf32, #tpu.memory_space<hbm>>
        %dma_start3A_343 = arith.constant 0 : i32
        %dma_start3A_344 = arith.constant 0 : i32
        %dma_start3A_345 = tpu.memref_slice %arg7[%sub3A_266, %dma_start3A_335, %dma_start3A_343, %dma_start3A_344] : memref<2x5x16x512xf32, #tpu.memory_space<vmem>> -> memref<1x1x16x512xf32, #tpu.memory_space<vmem>>
        %dma_start3A_346 = tpu.memref_squeeze %dma_start3A_345 : memref<1x1x16x512xf32, #tpu.memory_space<vmem>> -> memref<16x512xf32, #tpu.memory_space<vmem>>
        %dma_start3A_347 = arith.constant 0 : i32
        %dma_start3A_348 = tpu.memref_slice %arg2[%select_n3A, %dma_start3A_334, %add3A_269, %dma_start3A_347] : memref<8x5x512x512xf32, #tpu.memory_space<hbm>> -> memref<1x1x16x512xf32, #tpu.memory_space<hbm>>
        %dma_start3A_349 = tpu.memref_squeeze %dma_start3A_348 : memref<1x1x16x512xf32, #tpu.memory_space<hbm>> -> memref<16x512xf32, #tpu.memory_space<hbm>>
        tpu.enqueue_dma source(%dma_start3A_349 : memref<16x512xf32, #tpu.memory_space<hbm>>) target(%dma_start3A_346 : memref<16x512xf32, #tpu.memory_space<vmem>>) target_semaphore(%arg11 : memref<!tpu.dma_semaphore, #tpu.memory_space<semaphore_mem>>)
        %dma_start3A_350 = arith.constant 0 : i32
        %dma_start3A_351 = arith.constant 0 : i32
        %dma_start3A_352 = tpu.memref_slice %arg8[%sub3A_266, %dma_start3A_350, %dma_start3A_351] : memref<2x16x512xi32, #tpu.memory_space<vmem>> -> memref<1x16x512xi32, #tpu.memory_space<vmem>>
        %dma_start3A_353 = tpu.memref_squeeze %dma_start3A_352 : memref<1x16x512xi32, #tpu.memory_space<vmem>> -> memref<16x512xi32, #tpu.memory_space<vmem>>
        %dma_start3A_354 = arith.constant 0 : i32
        %dma_start3A_355 = tpu.memref_slice %arg3[%select_n3A, %add3A_269, %dma_start3A_354] : memref<8x512x512xi32, #tpu.memory_space<hbm>> -> memref<1x16x512xi32, #tpu.memory_space<hbm>>
        %dma_start3A_356 = tpu.memref_squeeze %dma_start3A_355 : memref<1x16x512xi32, #tpu.memory_space<hbm>> -> memref<16x512xi32, #tpu.memory_space<hbm>>
        %dma_start3A_357 = arith.constant 0 : i32
        %dma_start3A_358 = arith.constant 0 : i32
        %dma_start3A_359 = tpu.memref_slice %arg8[%sub3A_266, %dma_start3A_357, %dma_start3A_358] : memref<2x16x512xi32, #tpu.memory_space<vmem>> -> memref<1x16x512xi32, #tpu.memory_space<vmem>>
        %dma_start3A_360 = tpu.memref_squeeze %dma_start3A_359 : memref<1x16x512xi32, #tpu.memory_space<vmem>> -> memref<16x512xi32, #tpu.memory_space<vmem>>
        %dma_start3A_361 = arith.constant 0 : i32
        %dma_start3A_362 = tpu.memref_slice %arg3[%select_n3A, %add3A_269, %dma_start3A_361] : memref<8x512x512xi32, #tpu.memory_space<hbm>> -> memref<1x16x512xi32, #tpu.memory_space<hbm>>
        %dma_start3A_363 = tpu.memref_squeeze %dma_start3A_362 : memref<1x16x512xi32, #tpu.memory_space<hbm>> -> memref<16x512xi32, #tpu.memory_space<hbm>>
        tpu.enqueue_dma source(%dma_start3A_363 : memref<16x512xi32, #tpu.memory_space<hbm>>) target(%dma_start3A_360 : memref<16x512xi32, #tpu.memory_space<vmem>>) target_semaphore(%arg11 : memref<!tpu.dma_semaphore, #tpu.memory_space<semaphore_mem>>)
      } else {
      }
      %iota3A = tpu.iota {dimensions = array<i32: 0>} : vector<16xi32>
      %scan3A_257 = arith.constant 0 : i32
      %scan3A_258 = arith.constant 16 : i32
      %scan3A_259 = arith.addi %scan3A_257, %scan3A_258 : i32
      %scan3A_260 = arith.constant 1 : i32
      %scan3A_261:2 = scf.for %scan3A_263 = %scan3A_257 to %scan3A_259 step %scan3A_260 iter_args(%scan3A_264 = %scan3A_151, %scan3A_265 = %scan3A_152) -> (vector<16xf32>, vector<16xi32>)  : i32 {
        %broadcast_in_dim3A_266 = vector.broadcast %scan3A_263 : i32 to vector<16xi32>
        %scan3A_267 = arith.constant 0 : i32
        %scan3A_268 = arith.constant 8 : i32
        %scan3A_269 = arith.addi %scan3A_267, %scan3A_268 : i32
        %scan3A_270 = arith.constant 1 : i32
        %scan3A_271:2 = scf.for %scan3A_273 = %scan3A_267 to %scan3A_269 step %scan3A_270 iter_args(%scan3A_274 = %scan3A_264, %scan3A_275 = %scan3A_265) -> (vector<16xf32>, vector<16xi32>)  : i32 {
          %mul3A_276 = arith.constant 4 : i32
          %mul3A_277 = arith.muli %scan3A_273, %mul3A_276 : i32
          %add3A_278 = arith.constant 0 : i32
          %add3A_279 = arith.addi %mul3A_277, %add3A_278 : i32
          %mul3A_280 = arith.constant 16 : i32
          %mul3A_281 = arith.muli %add3A_279, %mul3A_280 : i32
          %get3A_282 = arith.constant 0 : i32
          %get3A_283 = arith.constant 0 : i32
          %get3A_284 = tpu.memref_slice %arg8[%rem3A_154, %get3A_282, %get3A_283] : memref<2x16x512xi32, #tpu.memory_space<vmem>> -> memref<1x16x512xi32, #tpu.memory_space<vmem>>
          %get3A_285 = tpu.memref_squeeze %get3A_284 : memref<1x16x512xi32, #tpu.memory_space<vmem>> -> memref<16x512xi32, #tpu.memory_space<vmem>>
          %get3A_286 = arith.index_cast %scan3A_263 : i32 to index
          %get3A_287 = arith.index_cast %mul3A_281 : i32 to index
          %get3A_288 = tpu.vector_load %get3A_285[%get3A_286, %get3A_287] {strides = array<i32>} : memref<16x512xi32, #tpu.memory_space<vmem>>, vector<16xi32>,
          %get3A_289 = arith.constant 0 : i32
          %get3A_290 = arith.constant 0 : i32
          %get3A_291 = arith.constant 0 : i32
          %get3A_292 = arith.constant 0 : i32
          %get3A_293 = tpu.memref_slice %arg7[%rem3A_154, %get3A_290, %get3A_291, %get3A_292] : memref<2x5x16x512xf32, #tpu.memory_space<vmem>> -> memref<1x5x16x512xf32, #tpu.memory_space<vmem>>
          %get3A_294 = tpu.memref_squeeze %get3A_293 : memref<1x5x16x512xf32, #tpu.memory_space<vmem>> -> memref<5x16x512xf32, #tpu.memory_space<vmem>>
          %get3A_295 = arith.index_cast %get3A_289 : i32 to index
          %get3A_296 = arith.index_cast %scan3A_263 : i32 to index
          %get3A_297 = arith.index_cast %mul3A_281 : i32 to index
          %get3A_298 = tpu.vector_load %get3A_294[%get3A_295, %get3A_296, %get3A_297] {strides = array<i32>} : memref<5x16x512xf32, #tpu.memory_space<vmem>>, vector<16xf32>,
          %eq3A_299 = arith.constant 1 : i32
          %eq3A_300 = vector.broadcast %eq3A_299 : i32 to vector<16xi32>
          %eq3A_301 = arith.cmpi eq, %get3A_288, %eq3A_300 : vector<16xi32>
          %get3A_302 = arith.constant 1 : i32
          %get3A_303 = arith.constant 0 : i32
          %get3A_304 = arith.constant 0 : i32
          %get3A_305 = arith.constant 0 : i32
          %get3A_306 = tpu.memref_slice %arg7[%rem3A_154, %get3A_303, %get3A_304, %get3A_305] : memref<2x5x16x512xf32, #tpu.memory_space<vmem>> -> memref<1x5x16x512xf32, #tpu.memory_space<vmem>>
          %get3A_307 = tpu.memref_squeeze %get3A_306 : memref<1x5x16x512xf32, #tpu.memory_space<vmem>> -> memref<5x16x512xf32, #tpu.memory_space<vmem>>
          %get3A_308 = arith.index_cast %get3A_302 : i32 to index
          %get3A_309 = arith.index_cast %scan3A_263 : i32 to index
          %get3A_310 = arith.index_cast %mul3A_281 : i32 to index
          %get3A_311 = tpu.vector_load %get3A_307[%get3A_308, %get3A_309, %get3A_310] {strides = array<i32>} : memref<5x16x512xf32, #tpu.memory_space<vmem>>, vector<16xf32>,
          %select_n3A_312 = arith.select %eq3A_301, %get3A_311, %get3A_298 : vector<16xi1>, vector<16xf32>
          %eq3A_313 = arith.constant 2 : i32
          %eq3A_314 = vector.broadcast %eq3A_313 : i32 to vector<16xi32>
          %eq3A_315 = arith.cmpi eq, %get3A_288, %eq3A_314 : vector<16xi32>
          %get3A_316 = arith.constant 2 : i32
          %get3A_317 = arith.constant 0 : i32
          %get3A_318 = arith.constant 0 : i32
          %get3A_319 = arith.constant 0 : i32
          %get3A_320 = tpu.memref_slice %arg7[%rem3A_154, %get3A_317, %get3A_318, %get3A_319] : memref<2x5x16x512xf32, #tpu.memory_space<vmem>> -> memref<1x5x16x512xf32, #tpu.memory_space<vmem>>
          %get3A_321 = tpu.memref_squeeze %get3A_320 : memref<1x5x16x512xf32, #tpu.memory_space<vmem>> -> memref<5x16x512xf32, #tpu.memory_space<vmem>>
          %get3A_322 = arith.index_cast %get3A_316 : i32 to index
          %get3A_323 = arith.index_cast %scan3A_263 : i32 to index
          %get3A_324 = arith.index_cast %mul3A_281 : i32 to index
          %get3A_325 = tpu.vector_load %get3A_321[%get3A_322, %get3A_323, %get3A_324] {strides = array<i32>} : memref<5x16x512xf32, #tpu.memory_space<vmem>>, vector<16xf32>,
          %select_n3A_326 = arith.select %eq3A_315, %get3A_325, %select_n3A_312 : vector<16xi1>, vector<16xf32>
          %eq3A_327 = arith.constant 3 : i32
          %eq3A_328 = vector.broadcast %eq3A_327 : i32 to vector<16xi32>
          %eq3A_329 = arith.cmpi eq, %get3A_288, %eq3A_328 : vector<16xi32>
          %get3A_330 = arith.constant 3 : i32
          %get3A_331 = arith.constant 0 : i32
          %get3A_332 = arith.constant 0 : i32
          %get3A_333 = arith.constant 0 : i32
          %get3A_334 = tpu.memref_slice %arg7[%rem3A_154, %get3A_331, %get3A_332, %get3A_333] : memref<2x5x16x512xf32, #tpu.memory_space<vmem>> -> memref<1x5x16x512xf32, #tpu.memory_space<vmem>>
          %get3A_335 = tpu.memref_squeeze %get3A_334 : memref<1x5x16x512xf32, #tpu.memory_space<vmem>> -> memref<5x16x512xf32, #tpu.memory_space<vmem>>
          %get3A_336 = arith.index_cast %get3A_330 : i32 to index
          %get3A_337 = arith.index_cast %scan3A_263 : i32 to index
          %get3A_338 = arith.index_cast %mul3A_281 : i32 to index
          %get3A_339 = tpu.vector_load %get3A_335[%get3A_336, %get3A_337, %get3A_338] {strides = array<i32>} : memref<5x16x512xf32, #tpu.memory_space<vmem>>, vector<16xf32>,
          %select_n3A_340 = arith.select %eq3A_329, %get3A_339, %select_n3A_326 : vector<16xi1>, vector<16xf32>
          %eq3A_341 = arith.constant 4 : i32
          %eq3A_342 = vector.broadcast %eq3A_341 : i32 to vector<16xi32>
          %eq3A_343 = arith.cmpi eq, %get3A_288, %eq3A_342 : vector<16xi32>
          %get3A_344 = arith.constant 4 : i32
          %get3A_345 = arith.constant 0 : i32
          %get3A_346 = arith.constant 0 : i32
          %get3A_347 = arith.constant 0 : i32
          %get3A_348 = tpu.memref_slice %arg7[%rem3A_154, %get3A_345, %get3A_346, %get3A_347] : memref<2x5x16x512xf32, #tpu.memory_space<vmem>> -> memref<1x5x16x512xf32, #tpu.memory_space<vmem>>
          %get3A_349 = tpu.memref_squeeze %get3A_348 : memref<1x5x16x512xf32, #tpu.memory_space<vmem>> -> memref<5x16x512xf32, #tpu.memory_space<vmem>>
          %get3A_350 = arith.index_cast %get3A_344 : i32 to index
          %get3A_351 = arith.index_cast %scan3A_263 : i32 to index
          %get3A_352 = arith.index_cast %mul3A_281 : i32 to index
          %get3A_353 = tpu.vector_load %get3A_349[%get3A_350, %get3A_351, %get3A_352] {strides = array<i32>} : memref<5x16x512xf32, #tpu.memory_space<vmem>>, vector<16xf32>,
          %select_n3A_354 = arith.select %eq3A_343, %get3A_353, %select_n3A_340 : vector<16xi1>, vector<16xf32>
          %max3A = arith.constant 9.99999974E-6 : f32
          %max3A_355 = vector.broadcast %max3A : f32 to vector<16xf32>
          %max3A_356 = arith.maximumf %select_n3A_354, %max3A_355 : vector<16xf32>
          %bitcast3A = vector.bitcast %max3A_356 : vector<16xf32> to vector<16xi32>
          %convert_element_type3A_357 = arith.sitofp %bitcast3A : vector<16xi32> to vector<16xf32>
          %mul3A_358 = arith.constant 8.26295832E-8 : f32
          %mul3A_359 = vector.broadcast %mul3A_358 : f32 to vector<16xf32>
          %mul3A_360 = arith.mulf %convert_element_type3A_357, %mul3A_359 : vector<16xf32>
          %and3A_361 = arith.constant 8388607 : i32
          %and3A_362 = vector.broadcast %and3A_361 : i32 to vector<16xi32>
          %and3A_363 = arith.andi %bitcast3A, %and3A_362 : vector<16xi32>
          %convert_element_type3A_364 = arith.sitofp %and3A_363 : vector<16xi32> to vector<16xf32>
          %mul3A_365 = arith.constant -1.10793491E-29 : f32
          %mul3A_366 = vector.broadcast %mul3A_365 : f32 to vector<16xf32>
          %mul3A_367 = arith.mulf %mul3A_366, %convert_element_type3A_364 : vector<16xf32>
          %add3A_368 = arith.constant 3.66610219E-22 : f32
          %add3A_369 = vector.broadcast %add3A_368 : f32 to vector<16xf32>
          %add3A_370 = arith.addf %mul3A_367, %add3A_369 : vector<16xf32>
          %mul3A_371 = arith.mulf %add3A_370, %convert_element_type3A_364 : vector<16xf32>
          %add3A_372 = arith.constant -6.59483971E-15 : f32
          %add3A_373 = vector.broadcast %add3A_372 : f32 to vector<16xf32>
          %add3A_374 = arith.addf %mul3A_371, %add3A_373 : vector<16xf32>
          %mul3A_375 = arith.mulf %add3A_374, %convert_element_type3A_364 : vector<16xf32>
          %add3A_376 = arith.constant 3.60345176E-8 : f32
          %add3A_377 = vector.broadcast %add3A_376 : f32 to vector<16xf32>
          %add3A_378 = arith.addf %mul3A_375, %add3A_377 : vector<16xf32>
          %mul3A_379 = arith.mulf %add3A_378, %convert_element_type3A_364 : vector<16xf32>
          %add3A_380 = arith.constant -88.0295486 : f32
          %add3A_381 = vector.broadcast %add3A_380 : f32 to vector<16xf32>
          %add3A_382 = arith.addf %mul3A_379, %add3A_381 : vector<16xf32>
          %add3A_383 = arith.addf %mul3A_360, %add3A_382 : vector<16xf32>
          %shift_right_logical3A = arith.shrui %get3A_33, %get3A_288 : vector<16xi32>
          %and3A_384 = arith.constant 1 : i32
          %and3A_385 = vector.broadcast %and3A_384 : i32 to vector<16xi32>
          %and3A_386 = arith.andi %shift_right_logical3A, %and3A_385 : vector<16xi32>
          %convert_element_type3A_387 = arith.sitofp %and3A_386 : vector<16xi32> to vector<16xf32>
          %add3A_388 = arith.constant 9.99999974E-6 : f32
          %add3A_389 = vector.broadcast %add3A_388 : f32 to vector<16xf32>
          %add3A_390 = arith.addf %add3A_383, %add3A_389 : vector<16xf32>
          %mul3A_391 = arith.mulf %convert_element_type3A_387, %add3A_390 : vector<16xf32>
          %add3A_392 = arith.addf %scan3A_274, %mul3A_391 : vector<16xf32>
          %min3A = arith.constant 1 : i32
          %min3A_393 = vector.broadcast %min3A : i32 to vector<16xi32>
          %min3A_394 = arith.minsi %get3A_288, %min3A_393 : vector<16xi32>
          %add3A_395 = arith.addi %scan3A_275, %min3A_394 : vector<16xi32>
          %mul3A_396 = arith.constant 4 : i32
          %mul3A_397 = arith.muli %scan3A_273, %mul3A_396 : i32
          %add3A_398 = arith.constant 1 : i32
          %add3A_399 = arith.addi %mul3A_397, %add3A_398 : i32
          %mul3A_400 = arith.constant 16 : i32
          %mul3A_401 = arith.muli %add3A_399, %mul3A_400 : i32
          %get3A_402 = arith.constant 0 : i32
          %get3A_403 = arith.constant 0 : i32
          %get3A_404 = tpu.memref_slice %arg8[%rem3A_154, %get3A_402, %get3A_403] : memref<2x16x512xi32, #tpu.memory_space<vmem>> -> memref<1x16x512xi32, #tpu.memory_space<vmem>>
          %get3A_405 = tpu.memref_squeeze %get3A_404 : memref<1x16x512xi32, #tpu.memory_space<vmem>> -> memref<16x512xi32, #tpu.memory_space<vmem>>
          %get3A_406 = arith.index_cast %scan3A_263 : i32 to index
          %get3A_407 = arith.index_cast %mul3A_401 : i32 to index
          %get3A_408 = tpu.vector_load %get3A_405[%get3A_406, %get3A_407] {strides = array<i32>} : memref<16x512xi32, #tpu.memory_space<vmem>>, vector<16xi32>,
          %get3A_409 = arith.constant 0 : i32
          %get3A_410 = arith.constant 0 : i32
          %get3A_411 = arith.constant 0 : i32
          %get3A_412 = arith.constant 0 : i32
          %get3A_413 = tpu.memref_slice %arg7[%rem3A_154, %get3A_410, %get3A_411, %get3A_412] : memref<2x5x16x512xf32, #tpu.memory_space<vmem>> -> memref<1x5x16x512xf32, #tpu.memory_space<vmem>>
          %get3A_414 = tpu.memref_squeeze %get3A_413 : memref<1x5x16x512xf32, #tpu.memory_space<vmem>> -> memref<5x16x512xf32, #tpu.memory_space<vmem>>
          %get3A_415 = arith.index_cast %get3A_409 : i32 to index
          %get3A_416 = arith.index_cast %scan3A_263 : i32 to index
          %get3A_417 = arith.index_cast %mul3A_401 : i32 to index
          %get3A_418 = tpu.vector_load %get3A_414[%get3A_415, %get3A_416, %get3A_417] {strides = array<i32>} : memref<5x16x512xf32, #tpu.memory_space<vmem>>, vector<16xf32>,
          %eq3A_419 = arith.constant 1 : i32
          %eq3A_420 = vector.broadcast %eq3A_419 : i32 to vector<16xi32>
          %eq3A_421 = arith.cmpi eq, %get3A_408, %eq3A_420 : vector<16xi32>
          %get3A_422 = arith.constant 1 : i32
          %get3A_423 = arith.constant 0 : i32
          %get3A_424 = arith.constant 0 : i32
          %get3A_425 = arith.constant 0 : i32
          %get3A_426 = tpu.memref_slice %arg7[%rem3A_154, %get3A_423, %get3A_424, %get3A_425] : memref<2x5x16x512xf32, #tpu.memory_space<vmem>> -> memref<1x5x16x512xf32, #tpu.memory_space<vmem>>
          %get3A_427 = tpu.memref_squeeze %get3A_426 : memref<1x5x16x512xf32, #tpu.memory_space<vmem>> -> memref<5x16x512xf32, #tpu.memory_space<vmem>>
          %get3A_428 = arith.index_cast %get3A_422 : i32 to index
          %get3A_429 = arith.index_cast %scan3A_263 : i32 to index
          %get3A_430 = arith.index_cast %mul3A_401 : i32 to index
          %get3A_431 = tpu.vector_load %get3A_427[%get3A_428, %get3A_429, %get3A_430] {strides = array<i32>} : memref<5x16x512xf32, #tpu.memory_space<vmem>>, vector<16xf32>,
          %select_n3A_432 = arith.select %eq3A_421, %get3A_431, %get3A_418 : vector<16xi1>, vector<16xf32>
          %eq3A_433 = arith.constant 2 : i32
          %eq3A_434 = vector.broadcast %eq3A_433 : i32 to vector<16xi32>
          %eq3A_435 = arith.cmpi eq, %get3A_408, %eq3A_434 : vector<16xi32>
          %get3A_436 = arith.constant 2 : i32
          %get3A_437 = arith.constant 0 : i32
          %get3A_438 = arith.constant 0 : i32
          %get3A_439 = arith.constant 0 : i32
          %get3A_440 = tpu.memref_slice %arg7[%rem3A_154, %get3A_437, %get3A_438, %get3A_439] : memref<2x5x16x512xf32, #tpu.memory_space<vmem>> -> memref<1x5x16x512xf32, #tpu.memory_space<vmem>>
          %get3A_441 = tpu.memref_squeeze %get3A_440 : memref<1x5x16x512xf32, #tpu.memory_space<vmem>> -> memref<5x16x512xf32, #tpu.memory_space<vmem>>
          %get3A_442 = arith.index_cast %get3A_436 : i32 to index
          %get3A_443 = arith.index_cast %scan3A_263 : i32 to index
          %get3A_444 = arith.index_cast %mul3A_401 : i32 to index
          %get3A_445 = tpu.vector_load %get3A_441[%get3A_442, %get3A_443, %get3A_444] {strides = array<i32>} : memref<5x16x512xf32, #tpu.memory_space<vmem>>, vector<16xf32>,
          %select_n3A_446 = arith.select %eq3A_435, %get3A_445, %select_n3A_432 : vector<16xi1>, vector<16xf32>
          %eq3A_447 = arith.constant 3 : i32
          %eq3A_448 = vector.broadcast %eq3A_447 : i32 to vector<16xi32>
          %eq3A_449 = arith.cmpi eq, %get3A_408, %eq3A_448 : vector<16xi32>
          %get3A_450 = arith.constant 3 : i32
          %get3A_451 = arith.constant 0 : i32
          %get3A_452 = arith.constant 0 : i32
          %get3A_453 = arith.constant 0 : i32
          %get3A_454 = tpu.memref_slice %arg7[%rem3A_154, %get3A_451, %get3A_452, %get3A_453] : memref<2x5x16x512xf32, #tpu.memory_space<vmem>> -> memref<1x5x16x512xf32, #tpu.memory_space<vmem>>
          %get3A_455 = tpu.memref_squeeze %get3A_454 : memref<1x5x16x512xf32, #tpu.memory_space<vmem>> -> memref<5x16x512xf32, #tpu.memory_space<vmem>>
          %get3A_456 = arith.index_cast %get3A_450 : i32 to index
          %get3A_457 = arith.index_cast %scan3A_263 : i32 to index
          %get3A_458 = arith.index_cast %mul3A_401 : i32 to index
          %get3A_459 = tpu.vector_load %get3A_455[%get3A_456, %get3A_457, %get3A_458] {strides = array<i32>} : memref<5x16x512xf32, #tpu.memory_space<vmem>>, vector<16xf32>,
          %select_n3A_460 = arith.select %eq3A_449, %get3A_459, %select_n3A_446 : vector<16xi1>, vector<16xf32>
          %eq3A_461 = arith.constant 4 : i32
          %eq3A_462 = vector.broadcast %eq3A_461 : i32 to vector<16xi32>
          %eq3A_463 = arith.cmpi eq, %get3A_408, %eq3A_462 : vector<16xi32>
          %get3A_464 = arith.constant 4 : i32
          %get3A_465 = arith.constant 0 : i32
          %get3A_466 = arith.constant 0 : i32
          %get3A_467 = arith.constant 0 : i32
          %get3A_468 = tpu.memref_slice %arg7[%rem3A_154, %get3A_465, %get3A_466, %get3A_467] : memref<2x5x16x512xf32, #tpu.memory_space<vmem>> -> memref<1x5x16x512xf32, #tpu.memory_space<vmem>>
          %get3A_469 = tpu.memref_squeeze %get3A_468 : memref<1x5x16x512xf32, #tpu.memory_space<vmem>> -> memref<5x16x512xf32, #tpu.memory_space<vmem>>
          %get3A_470 = arith.index_cast %get3A_464 : i32 to index
          %get3A_471 = arith.index_cast %scan3A_263 : i32 to index
          %get3A_472 = arith.index_cast %mul3A_401 : i32 to index
          %get3A_473 = tpu.vector_load %get3A_469[%get3A_470, %get3A_471, %get3A_472] {strides = array<i32>} : memref<5x16x512xf32, #tpu.memory_space<vmem>>, vector<16xf32>,
          %select_n3A_474 = arith.select %eq3A_463, %get3A_473, %select_n3A_460 : vector<16xi1>, vector<16xf32>
          %max3A_475 = arith.constant 9.99999974E-6 : f32
          %max3A_476 = vector.broadcast %max3A_475 : f32 to vector<16xf32>
          %max3A_477 = arith.maximumf %select_n3A_474, %max3A_476 : vector<16xf32>
          %bitcast3A_478 = vector.bitcast %max3A_477 : vector<16xf32> to vector<16xi32>
          %convert_element_type3A_479 = arith.sitofp %bitcast3A_478 : vector<16xi32> to vector<16xf32>
          %mul3A_480 = arith.constant 8.26295832E-8 : f32
          %mul3A_481 = vector.broadcast %mul3A_480 : f32 to vector<16xf32>
          %mul3A_482 = arith.mulf %convert_element_type3A_479, %mul3A_481 : vector<16xf32>
          %and3A_483 = arith.constant 8388607 : i32
          %and3A_484 = vector.broadcast %and3A_483 : i32 to vector<16xi32>
          %and3A_485 = arith.andi %bitcast3A_478, %and3A_484 : vector<16xi32>
          %convert_element_type3A_486 = arith.sitofp %and3A_485 : vector<16xi32> to vector<16xf32>
          %mul3A_487 = arith.constant -1.10793491E-29 : f32
          %mul3A_488 = vector.broadcast %mul3A_487 : f32 to vector<16xf32>
          %mul3A_489 = arith.mulf %mul3A_488, %convert_element_type3A_486 : vector<16xf32>
          %add3A_490 = arith.constant 3.66610219E-22 : f32
          %add3A_491 = vector.broadcast %add3A_490 : f32 to vector<16xf32>
          %add3A_492 = arith.addf %mul3A_489, %add3A_491 : vector<16xf32>
          %mul3A_493 = arith.mulf %add3A_492, %convert_element_type3A_486 : vector<16xf32>
          %add3A_494 = arith.constant -6.59483971E-15 : f32
          %add3A_495 = vector.broadcast %add3A_494 : f32 to vector<16xf32>
          %add3A_496 = arith.addf %mul3A_493, %add3A_495 : vector<16xf32>
          %mul3A_497 = arith.mulf %add3A_496, %convert_element_type3A_486 : vector<16xf32>
          %add3A_498 = arith.constant 3.60345176E-8 : f32
          %add3A_499 = vector.broadcast %add3A_498 : f32 to vector<16xf32>
          %add3A_500 = arith.addf %mul3A_497, %add3A_499 : vector<16xf32>
          %mul3A_501 = arith.mulf %add3A_500, %convert_element_type3A_486 : vector<16xf32>
          %add3A_502 = arith.constant -88.0295486 : f32
          %add3A_503 = vector.broadcast %add3A_502 : f32 to vector<16xf32>
          %add3A_504 = arith.addf %mul3A_501, %add3A_503 : vector<16xf32>
          %add3A_505 = arith.addf %mul3A_482, %add3A_504 : vector<16xf32>
          %shift_right_logical3A_506 = arith.shrui %get3A_33, %get3A_408 : vector<16xi32>
          %and3A_507 = arith.constant 1 : i32
          %and3A_508 = vector.broadcast %and3A_507 : i32 to vector<16xi32>
          %and3A_509 = arith.andi %shift_right_logical3A_506, %and3A_508 : vector<16xi32>
          %convert_element_type3A_510 = arith.sitofp %and3A_509 : vector<16xi32> to vector<16xf32>
          %add3A_511 = arith.constant 9.99999974E-6 : f32
          %add3A_512 = vector.broadcast %add3A_511 : f32 to vector<16xf32>
          %add3A_513 = arith.addf %add3A_505, %add3A_512 : vector<16xf32>
          %mul3A_514 = arith.mulf %convert_element_type3A_510, %add3A_513 : vector<16xf32>
          %add3A_515 = arith.addf %add3A_392, %mul3A_514 : vector<16xf32>
          %min3A_516 = arith.constant 1 : i32
          %min3A_517 = vector.broadcast %min3A_516 : i32 to vector<16xi32>
          %min3A_518 = arith.minsi %get3A_408, %min3A_517 : vector<16xi32>
          %add3A_519 = arith.addi %add3A_395, %min3A_518 : vector<16xi32>
          %mul3A_520 = arith.constant 4 : i32
          %mul3A_521 = arith.muli %scan3A_273, %mul3A_520 : i32
          %add3A_522 = arith.constant 2 : i32
          %add3A_523 = arith.addi %mul3A_521, %add3A_522 : i32
          %mul3A_524 = arith.constant 16 : i32
          %mul3A_525 = arith.muli %add3A_523, %mul3A_524 : i32
          %get3A_526 = arith.constant 0 : i32
          %get3A_527 = arith.constant 0 : i32
          %get3A_528 = tpu.memref_slice %arg8[%rem3A_154, %get3A_526, %get3A_527] : memref<2x16x512xi32, #tpu.memory_space<vmem>> -> memref<1x16x512xi32, #tpu.memory_space<vmem>>
          %get3A_529 = tpu.memref_squeeze %get3A_528 : memref<1x16x512xi32, #tpu.memory_space<vmem>> -> memref<16x512xi32, #tpu.memory_space<vmem>>
          %get3A_530 = arith.index_cast %scan3A_263 : i32 to index
          %get3A_531 = arith.index_cast %mul3A_525 : i32 to index
          %get3A_532 = tpu.vector_load %get3A_529[%get3A_530, %get3A_531] {strides = array<i32>} : memref<16x512xi32, #tpu.memory_space<vmem>>, vector<16xi32>,
          %get3A_533 = arith.constant 0 : i32
          %get3A_534 = arith.constant 0 : i32
          %get3A_535 = arith.constant 0 : i32
          %get3A_536 = arith.constant 0 : i32
          %get3A_537 = tpu.memref_slice %arg7[%rem3A_154, %get3A_534, %get3A_535, %get3A_536] : memref<2x5x16x512xf32, #tpu.memory_space<vmem>> -> memref<1x5x16x512xf32, #tpu.memory_space<vmem>>
          %get3A_538 = tpu.memref_squeeze %get3A_537 : memref<1x5x16x512xf32, #tpu.memory_space<vmem>> -> memref<5x16x512xf32, #tpu.memory_space<vmem>>
          %get3A_539 = arith.index_cast %get3A_533 : i32 to index
          %get3A_540 = arith.index_cast %scan3A_263 : i32 to index
          %get3A_541 = arith.index_cast %mul3A_525 : i32 to index
          %get3A_542 = tpu.vector_load %get3A_538[%get3A_539, %get3A_540, %get3A_541] {strides = array<i32>} : memref<5x16x512xf32, #tpu.memory_space<vmem>>, vector<16xf32>,
          %eq3A_543 = arith.constant 1 : i32
          %eq3A_544 = vector.broadcast %eq3A_543 : i32 to vector<16xi32>
          %eq3A_545 = arith.cmpi eq, %get3A_532, %eq3A_544 : vector<16xi32>
          %get3A_546 = arith.constant 1 : i32
          %get3A_547 = arith.constant 0 : i32
          %get3A_548 = arith.constant 0 : i32
          %get3A_549 = arith.constant 0 : i32
          %get3A_550 = tpu.memref_slice %arg7[%rem3A_154, %get3A_547, %get3A_548, %get3A_549] : memref<2x5x16x512xf32, #tpu.memory_space<vmem>> -> memref<1x5x16x512xf32, #tpu.memory_space<vmem>>
          %get3A_551 = tpu.memref_squeeze %get3A_550 : memref<1x5x16x512xf32, #tpu.memory_space<vmem>> -> memref<5x16x512xf32, #tpu.memory_space<vmem>>
          %get3A_552 = arith.index_cast %get3A_546 : i32 to index
          %get3A_553 = arith.index_cast %scan3A_263 : i32 to index
          %get3A_554 = arith.index_cast %mul3A_525 : i32 to index
          %get3A_555 = tpu.vector_load %get3A_551[%get3A_552, %get3A_553, %get3A_554] {strides = array<i32>} : memref<5x16x512xf32, #tpu.memory_space<vmem>>, vector<16xf32>,
          %select_n3A_556 = arith.select %eq3A_545, %get3A_555, %get3A_542 : vector<16xi1>, vector<16xf32>
          %eq3A_557 = arith.constant 2 : i32
          %eq3A_558 = vector.broadcast %eq3A_557 : i32 to vector<16xi32>
          %eq3A_559 = arith.cmpi eq, %get3A_532, %eq3A_558 : vector<16xi32>
          %get3A_560 = arith.constant 2 : i32
          %get3A_561 = arith.constant 0 : i32
          %get3A_562 = arith.constant 0 : i32
          %get3A_563 = arith.constant 0 : i32
          %get3A_564 = tpu.memref_slice %arg7[%rem3A_154, %get3A_561, %get3A_562, %get3A_563] : memref<2x5x16x512xf32, #tpu.memory_space<vmem>> -> memref<1x5x16x512xf32, #tpu.memory_space<vmem>>
          %get3A_565 = tpu.memref_squeeze %get3A_564 : memref<1x5x16x512xf32, #tpu.memory_space<vmem>> -> memref<5x16x512xf32, #tpu.memory_space<vmem>>
          %get3A_566 = arith.index_cast %get3A_560 : i32 to index
          %get3A_567 = arith.index_cast %scan3A_263 : i32 to index
          %get3A_568 = arith.index_cast %mul3A_525 : i32 to index
          %get3A_569 = tpu.vector_load %get3A_565[%get3A_566, %get3A_567, %get3A_568] {strides = array<i32>} : memref<5x16x512xf32, #tpu.memory_space<vmem>>, vector<16xf32>,
          %select_n3A_570 = arith.select %eq3A_559, %get3A_569, %select_n3A_556 : vector<16xi1>, vector<16xf32>
          %eq3A_571 = arith.constant 3 : i32
          %eq3A_572 = vector.broadcast %eq3A_571 : i32 to vector<16xi32>
          %eq3A_573 = arith.cmpi eq, %get3A_532, %eq3A_572 : vector<16xi32>
          %get3A_574 = arith.constant 3 : i32
          %get3A_575 = arith.constant 0 : i32
          %get3A_576 = arith.constant 0 : i32
          %get3A_577 = arith.constant 0 : i32
          %get3A_578 = tpu.memref_slice %arg7[%rem3A_154, %get3A_575, %get3A_576, %get3A_577] : memref<2x5x16x512xf32, #tpu.memory_space<vmem>> -> memref<1x5x16x512xf32, #tpu.memory_space<vmem>>
          %get3A_579 = tpu.memref_squeeze %get3A_578 : memref<1x5x16x512xf32, #tpu.memory_space<vmem>> -> memref<5x16x512xf32, #tpu.memory_space<vmem>>
          %get3A_580 = arith.index_cast %get3A_574 : i32 to index
          %get3A_581 = arith.index_cast %scan3A_263 : i32 to index
          %get3A_582 = arith.index_cast %mul3A_525 : i32 to index
          %get3A_583 = tpu.vector_load %get3A_579[%get3A_580, %get3A_581, %get3A_582] {strides = array<i32>} : memref<5x16x512xf32, #tpu.memory_space<vmem>>, vector<16xf32>,
          %select_n3A_584 = arith.select %eq3A_573, %get3A_583, %select_n3A_570 : vector<16xi1>, vector<16xf32>
          %eq3A_585 = arith.constant 4 : i32
          %eq3A_586 = vector.broadcast %eq3A_585 : i32 to vector<16xi32>
          %eq3A_587 = arith.cmpi eq, %get3A_532, %eq3A_586 : vector<16xi32>
          %get3A_588 = arith.constant 4 : i32
          %get3A_589 = arith.constant 0 : i32
          %get3A_590 = arith.constant 0 : i32
          %get3A_591 = arith.constant 0 : i32
          %get3A_592 = tpu.memref_slice %arg7[%rem3A_154, %get3A_589, %get3A_590, %get3A_591] : memref<2x5x16x512xf32, #tpu.memory_space<vmem>> -> memref<1x5x16x512xf32, #tpu.memory_space<vmem>>
          %get3A_593 = tpu.memref_squeeze %get3A_592 : memref<1x5x16x512xf32, #tpu.memory_space<vmem>> -> memref<5x16x512xf32, #tpu.memory_space<vmem>>
          %get3A_594 = arith.index_cast %get3A_588 : i32 to index
          %get3A_595 = arith.index_cast %scan3A_263 : i32 to index
          %get3A_596 = arith.index_cast %mul3A_525 : i32 to index
          %get3A_597 = tpu.vector_load %get3A_593[%get3A_594, %get3A_595, %get3A_596] {strides = array<i32>} : memref<5x16x512xf32, #tpu.memory_space<vmem>>, vector<16xf32>,
          %select_n3A_598 = arith.select %eq3A_587, %get3A_597, %select_n3A_584 : vector<16xi1>, vector<16xf32>
          %max3A_599 = arith.constant 9.99999974E-6 : f32
          %max3A_600 = vector.broadcast %max3A_599 : f32 to vector<16xf32>
          %max3A_601 = arith.maximumf %select_n3A_598, %max3A_600 : vector<16xf32>
          %bitcast3A_602 = vector.bitcast %max3A_601 : vector<16xf32> to vector<16xi32>
          %convert_element_type3A_603 = arith.sitofp %bitcast3A_602 : vector<16xi32> to vector<16xf32>
          %mul3A_604 = arith.constant 8.26295832E-8 : f32
          %mul3A_605 = vector.broadcast %mul3A_604 : f32 to vector<16xf32>
          %mul3A_606 = arith.mulf %convert_element_type3A_603, %mul3A_605 : vector<16xf32>
          %and3A_607 = arith.constant 8388607 : i32
          %and3A_608 = vector.broadcast %and3A_607 : i32 to vector<16xi32>
          %and3A_609 = arith.andi %bitcast3A_602, %and3A_608 : vector<16xi32>
          %convert_element_type3A_610 = arith.sitofp %and3A_609 : vector<16xi32> to vector<16xf32>
          %mul3A_611 = arith.constant -1.10793491E-29 : f32
          %mul3A_612 = vector.broadcast %mul3A_611 : f32 to vector<16xf32>
          %mul3A_613 = arith.mulf %mul3A_612, %convert_element_type3A_610 : vector<16xf32>
          %add3A_614 = arith.constant 3.66610219E-22 : f32
          %add3A_615 = vector.broadcast %add3A_614 : f32 to vector<16xf32>
          %add3A_616 = arith.addf %mul3A_613, %add3A_615 : vector<16xf32>
          %mul3A_617 = arith.mulf %add3A_616, %convert_element_type3A_610 : vector<16xf32>
          %add3A_618 = arith.constant -6.59483971E-15 : f32
          %add3A_619 = vector.broadcast %add3A_618 : f32 to vector<16xf32>
          %add3A_620 = arith.addf %mul3A_617, %add3A_619 : vector<16xf32>
          %mul3A_621 = arith.mulf %add3A_620, %convert_element_type3A_610 : vector<16xf32>
          %add3A_622 = arith.constant 3.60345176E-8 : f32
          %add3A_623 = vector.broadcast %add3A_622 : f32 to vector<16xf32>
          %add3A_624 = arith.addf %mul3A_621, %add3A_623 : vector<16xf32>
          %mul3A_625 = arith.mulf %add3A_624, %convert_element_type3A_610 : vector<16xf32>
          %add3A_626 = arith.constant -88.0295486 : f32
          %add3A_627 = vector.broadcast %add3A_626 : f32 to vector<16xf32>
          %add3A_628 = arith.addf %mul3A_625, %add3A_627 : vector<16xf32>
          %add3A_629 = arith.addf %mul3A_606, %add3A_628 : vector<16xf32>
          %shift_right_logical3A_630 = arith.shrui %get3A_33, %get3A_532 : vector<16xi32>
          %and3A_631 = arith.constant 1 : i32
          %and3A_632 = vector.broadcast %and3A_631 : i32 to vector<16xi32>
          %and3A_633 = arith.andi %shift_right_logical3A_630, %and3A_632 : vector<16xi32>
          %convert_element_type3A_634 = arith.sitofp %and3A_633 : vector<16xi32> to vector<16xf32>
          %add3A_635 = arith.constant 9.99999974E-6 : f32
          %add3A_636 = vector.broadcast %add3A_635 : f32 to vector<16xf32>
          %add3A_637 = arith.addf %add3A_629, %add3A_636 : vector<16xf32>
          %mul3A_638 = arith.mulf %convert_element_type3A_634, %add3A_637 : vector<16xf32>
          %add3A_639 = arith.addf %add3A_515, %mul3A_638 : vector<16xf32>
          %min3A_640 = arith.constant 1 : i32
          %min3A_641 = vector.broadcast %min3A_640 : i32 to vector<16xi32>
          %min3A_642 = arith.minsi %get3A_532, %min3A_641 : vector<16xi32>
          %add3A_643 = arith.addi %add3A_519, %min3A_642 : vector<16xi32>
          %mul3A_644 = arith.constant 4 : i32
          %mul3A_645 = arith.muli %scan3A_273, %mul3A_644 : i32
          %add3A_646 = arith.constant 3 : i32
          %add3A_647 = arith.addi %mul3A_645, %add3A_646 : i32
          %mul3A_648 = arith.constant 16 : i32
          %mul3A_649 = arith.muli %add3A_647, %mul3A_648 : i32
          %get3A_650 = arith.constant 0 : i32
          %get3A_651 = arith.constant 0 : i32
          %get3A_652 = tpu.memref_slice %arg8[%rem3A_154, %get3A_650, %get3A_651] : memref<2x16x512xi32, #tpu.memory_space<vmem>> -> memref<1x16x512xi32, #tpu.memory_space<vmem>>
          %get3A_653 = tpu.memref_squeeze %get3A_652 : memref<1x16x512xi32, #tpu.memory_space<vmem>> -> memref<16x512xi32, #tpu.memory_space<vmem>>
          %get3A_654 = arith.index_cast %scan3A_263 : i32 to index
          %get3A_655 = arith.index_cast %mul3A_649 : i32 to index
          %get3A_656 = tpu.vector_load %get3A_653[%get3A_654, %get3A_655] {strides = array<i32>} : memref<16x512xi32, #tpu.memory_space<vmem>>, vector<16xi32>,
          %get3A_657 = arith.constant 0 : i32
          %get3A_658 = arith.constant 0 : i32
          %get3A_659 = arith.constant 0 : i32
          %get3A_660 = arith.constant 0 : i32
          %get3A_661 = tpu.memref_slice %arg7[%rem3A_154, %get3A_658, %get3A_659, %get3A_660] : memref<2x5x16x512xf32, #tpu.memory_space<vmem>> -> memref<1x5x16x512xf32, #tpu.memory_space<vmem>>
          %get3A_662 = tpu.memref_squeeze %get3A_661 : memref<1x5x16x512xf32, #tpu.memory_space<vmem>> -> memref<5x16x512xf32, #tpu.memory_space<vmem>>
          %get3A_663 = arith.index_cast %get3A_657 : i32 to index
          %get3A_664 = arith.index_cast %scan3A_263 : i32 to index
          %get3A_665 = arith.index_cast %mul3A_649 : i32 to index
          %get3A_666 = tpu.vector_load %get3A_662[%get3A_663, %get3A_664, %get3A_665] {strides = array<i32>} : memref<5x16x512xf32, #tpu.memory_space<vmem>>, vector<16xf32>,
          %eq3A_667 = arith.constant 1 : i32
          %eq3A_668 = vector.broadcast %eq3A_667 : i32 to vector<16xi32>
          %eq3A_669 = arith.cmpi eq, %get3A_656, %eq3A_668 : vector<16xi32>
          %get3A_670 = arith.constant 1 : i32
          %get3A_671 = arith.constant 0 : i32
          %get3A_672 = arith.constant 0 : i32
          %get3A_673 = arith.constant 0 : i32
          %get3A_674 = tpu.memref_slice %arg7[%rem3A_154, %get3A_671, %get3A_672, %get3A_673] : memref<2x5x16x512xf32, #tpu.memory_space<vmem>> -> memref<1x5x16x512xf32, #tpu.memory_space<vmem>>
          %get3A_675 = tpu.memref_squeeze %get3A_674 : memref<1x5x16x512xf32, #tpu.memory_space<vmem>> -> memref<5x16x512xf32, #tpu.memory_space<vmem>>
          %get3A_676 = arith.index_cast %get3A_670 : i32 to index
          %get3A_677 = arith.index_cast %scan3A_263 : i32 to index
          %get3A_678 = arith.index_cast %mul3A_649 : i32 to index
          %get3A_679 = tpu.vector_load %get3A_675[%get3A_676, %get3A_677, %get3A_678] {strides = array<i32>} : memref<5x16x512xf32, #tpu.memory_space<vmem>>, vector<16xf32>,
          %select_n3A_680 = arith.select %eq3A_669, %get3A_679, %get3A_666 : vector<16xi1>, vector<16xf32>
          %eq3A_681 = arith.constant 2 : i32
          %eq3A_682 = vector.broadcast %eq3A_681 : i32 to vector<16xi32>
          %eq3A_683 = arith.cmpi eq, %get3A_656, %eq3A_682 : vector<16xi32>
          %get3A_684 = arith.constant 2 : i32
          %get3A_685 = arith.constant 0 : i32
          %get3A_686 = arith.constant 0 : i32
          %get3A_687 = arith.constant 0 : i32
          %get3A_688 = tpu.memref_slice %arg7[%rem3A_154, %get3A_685, %get3A_686, %get3A_687] : memref<2x5x16x512xf32, #tpu.memory_space<vmem>> -> memref<1x5x16x512xf32, #tpu.memory_space<vmem>>
          %get3A_689 = tpu.memref_squeeze %get3A_688 : memref<1x5x16x512xf32, #tpu.memory_space<vmem>> -> memref<5x16x512xf32, #tpu.memory_space<vmem>>
          %get3A_690 = arith.index_cast %get3A_684 : i32 to index
          %get3A_691 = arith.index_cast %scan3A_263 : i32 to index
          %get3A_692 = arith.index_cast %mul3A_649 : i32 to index
          %get3A_693 = tpu.vector_load %get3A_689[%get3A_690, %get3A_691, %get3A_692] {strides = array<i32>} : memref<5x16x512xf32, #tpu.memory_space<vmem>>, vector<16xf32>,
          %select_n3A_694 = arith.select %eq3A_683, %get3A_693, %select_n3A_680 : vector<16xi1>, vector<16xf32>
          %eq3A_695 = arith.constant 3 : i32
          %eq3A_696 = vector.broadcast %eq3A_695 : i32 to vector<16xi32>
          %eq3A_697 = arith.cmpi eq, %get3A_656, %eq3A_696 : vector<16xi32>
          %get3A_698 = arith.constant 3 : i32
          %get3A_699 = arith.constant 0 : i32
          %get3A_700 = arith.constant 0 : i32
          %get3A_701 = arith.constant 0 : i32
          %get3A_702 = tpu.memref_slice %arg7[%rem3A_154, %get3A_699, %get3A_700, %get3A_701] : memref<2x5x16x512xf32, #tpu.memory_space<vmem>> -> memref<1x5x16x512xf32, #tpu.memory_space<vmem>>
          %get3A_703 = tpu.memref_squeeze %get3A_702 : memref<1x5x16x512xf32, #tpu.memory_space<vmem>> -> memref<5x16x512xf32, #tpu.memory_space<vmem>>
          %get3A_704 = arith.index_cast %get3A_698 : i32 to index
          %get3A_705 = arith.index_cast %scan3A_263 : i32 to index
          %get3A_706 = arith.index_cast %mul3A_649 : i32 to index
          %get3A_707 = tpu.vector_load %get3A_703[%get3A_704, %get3A_705, %get3A_706] {strides = array<i32>} : memref<5x16x512xf32, #tpu.memory_space<vmem>>, vector<16xf32>,
          %select_n3A_708 = arith.select %eq3A_697, %get3A_707, %select_n3A_694 : vector<16xi1>, vector<16xf32>
          %eq3A_709 = arith.constant 4 : i32
          %eq3A_710 = vector.broadcast %eq3A_709 : i32 to vector<16xi32>
          %eq3A_711 = arith.cmpi eq, %get3A_656, %eq3A_710 : vector<16xi32>
          %get3A_712 = arith.constant 4 : i32
          %get3A_713 = arith.constant 0 : i32
          %get3A_714 = arith.constant 0 : i32
          %get3A_715 = arith.constant 0 : i32
          %get3A_716 = tpu.memref_slice %arg7[%rem3A_154, %get3A_713, %get3A_714, %get3A_715] : memref<2x5x16x512xf32, #tpu.memory_space<vmem>> -> memref<1x5x16x512xf32, #tpu.memory_space<vmem>>
          %get3A_717 = tpu.memref_squeeze %get3A_716 : memref<1x5x16x512xf32, #tpu.memory_space<vmem>> -> memref<5x16x512xf32, #tpu.memory_space<vmem>>
          %get3A_718 = arith.index_cast %get3A_712 : i32 to index
          %get3A_719 = arith.index_cast %scan3A_263 : i32 to index
          %get3A_720 = arith.index_cast %mul3A_649 : i32 to index
          %get3A_721 = tpu.vector_load %get3A_717[%get3A_718, %get3A_719, %get3A_720] {strides = array<i32>} : memref<5x16x512xf32, #tpu.memory_space<vmem>>, vector<16xf32>,
          %select_n3A_722 = arith.select %eq3A_711, %get3A_721, %select_n3A_708 : vector<16xi1>, vector<16xf32>
          %max3A_723 = arith.constant 9.99999974E-6 : f32
          %max3A_724 = vector.broadcast %max3A_723 : f32 to vector<16xf32>
          %max3A_725 = arith.maximumf %select_n3A_722, %max3A_724 : vector<16xf32>
          %bitcast3A_726 = vector.bitcast %max3A_725 : vector<16xf32> to vector<16xi32>
          %convert_element_type3A_727 = arith.sitofp %bitcast3A_726 : vector<16xi32> to vector<16xf32>
          %mul3A_728 = arith.constant 8.26295832E-8 : f32
          %mul3A_729 = vector.broadcast %mul3A_728 : f32 to vector<16xf32>
          %mul3A_730 = arith.mulf %convert_element_type3A_727, %mul3A_729 : vector<16xf32>
          %and3A_731 = arith.constant 8388607 : i32
          %and3A_732 = vector.broadcast %and3A_731 : i32 to vector<16xi32>
          %and3A_733 = arith.andi %bitcast3A_726, %and3A_732 : vector<16xi32>
          %convert_element_type3A_734 = arith.sitofp %and3A_733 : vector<16xi32> to vector<16xf32>
          %mul3A_735 = arith.constant -1.10793491E-29 : f32
          %mul3A_736 = vector.broadcast %mul3A_735 : f32 to vector<16xf32>
          %mul3A_737 = arith.mulf %mul3A_736, %convert_element_type3A_734 : vector<16xf32>
          %add3A_738 = arith.constant 3.66610219E-22 : f32
          %add3A_739 = vector.broadcast %add3A_738 : f32 to vector<16xf32>
          %add3A_740 = arith.addf %mul3A_737, %add3A_739 : vector<16xf32>
          %mul3A_741 = arith.mulf %add3A_740, %convert_element_type3A_734 : vector<16xf32>
          %add3A_742 = arith.constant -6.59483971E-15 : f32
          %add3A_743 = vector.broadcast %add3A_742 : f32 to vector<16xf32>
          %add3A_744 = arith.addf %mul3A_741, %add3A_743 : vector<16xf32>
          %mul3A_745 = arith.mulf %add3A_744, %convert_element_type3A_734 : vector<16xf32>
          %add3A_746 = arith.constant 3.60345176E-8 : f32
          %add3A_747 = vector.broadcast %add3A_746 : f32 to vector<16xf32>
          %add3A_748 = arith.addf %mul3A_745, %add3A_747 : vector<16xf32>
          %mul3A_749 = arith.mulf %add3A_748, %convert_element_type3A_734 : vector<16xf32>
          %add3A_750 = arith.constant -88.0295486 : f32
          %add3A_751 = vector.broadcast %add3A_750 : f32 to vector<16xf32>
          %add3A_752 = arith.addf %mul3A_749, %add3A_751 : vector<16xf32>
          %add3A_753 = arith.addf %mul3A_730, %add3A_752 : vector<16xf32>
          %shift_right_logical3A_754 = arith.shrui %get3A_33, %get3A_656 : vector<16xi32>
          %and3A_755 = arith.constant 1 : i32
          %and3A_756 = vector.broadcast %and3A_755 : i32 to vector<16xi32>
          %and3A_757 = arith.andi %shift_right_logical3A_754, %and3A_756 : vector<16xi32>
          %convert_element_type3A_758 = arith.sitofp %and3A_757 : vector<16xi32> to vector<16xf32>
          %add3A_759 = arith.constant 9.99999974E-6 : f32
          %add3A_760 = vector.broadcast %add3A_759 : f32 to vector<16xf32>
          %add3A_761 = arith.addf %add3A_753, %add3A_760 : vector<16xf32>
          %mul3A_762 = arith.mulf %convert_element_type3A_758, %add3A_761 : vector<16xf32>
          %add3A_763 = arith.addf %add3A_639, %mul3A_762 : vector<16xf32>
          %min3A_764 = arith.constant 1 : i32
          %min3A_765 = vector.broadcast %min3A_764 : i32 to vector<16xi32>
          %min3A_766 = arith.minsi %get3A_656, %min3A_765 : vector<16xi32>
          %add3A_767 = arith.addi %add3A_643, %min3A_766 : vector<16xi32>
          scf.yield %add3A_763, %add3A_767 : vector<16xf32>, vector<16xi32>
        }
        %scan3A_272 = arith.constant 8 : i32
        scf.yield %scan3A_271#0, %scan3A_271#1 : vector<16xf32>, vector<16xi32>
      }
      %scan3A_262 = arith.constant 16 : i32
      scf.yield %scan3A_261#0, %scan3A_261#1 : vector<16xf32>, vector<16xi32>
    }
    %scan3A_142 = arith.constant 8 : i32
    %swap3A = arith.constant 0 : index
    %swap3A_143 = tpu.vector_load %arg10[%swap3A] {strides = array<i32>} : memref<16xf32, #tpu.memory_space<vmem>>, vector<16xf32>,
    tpu.vector_store %arg10[%swap3A], %scan3A_141#0 {strides = array<i32>} : memref<16xf32, #tpu.memory_space<vmem>>, vector<16xf32>,
    %mul3A_144 = arith.constant 16 : i32
    %mul3A_145 = arith.muli %add3A, %mul3A_144 : i32
    "tpu.region"() ({
      %run_scoped3A = tpu.sem_alloc : memref<!tpu.dma_semaphore, #tpu.memory_space<semaphore_mem>>
      %dma_start3A_150 = tpu.memref_slice %arg5[%mul3A_145] : memref<512xf32, #tpu.memory_space<hbm>> -> memref<16xf32, #tpu.memory_space<hbm>>
      %dma_start3A_151 = tpu.memref_slice %arg5[%mul3A_145] : memref<512xf32, #tpu.memory_space<hbm>> -> memref<16xf32, #tpu.memory_space<hbm>>
      tpu.enqueue_dma source(%arg10 : memref<16xf32, #tpu.memory_space<vmem>>) target(%dma_start3A_151 : memref<16xf32, #tpu.memory_space<hbm>>) target_semaphore(%run_scoped3A : memref<!tpu.dma_semaphore, #tpu.memory_space<semaphore_mem>>)
      %dma_wait3A = tpu.memref_slice %arg5[%mul3A_145] : memref<512xf32, #tpu.memory_space<hbm>> -> memref<16xf32, #tpu.memory_space<hbm>>
      %dma_wait3A_152 = tpu.memref_slice %arg5[%mul3A_145] : memref<512xf32, #tpu.memory_space<hbm>> -> memref<16xf32, #tpu.memory_space<hbm>>
      tpu.wait_dma2 semaphore(%run_scoped3A : memref<!tpu.dma_semaphore, #tpu.memory_space<semaphore_mem>>) src(%arg10 : memref<16xf32, #tpu.memory_space<vmem>>) dst(%dma_wait3A_152 : memref<16xf32, #tpu.memory_space<hbm>>)
      tpu.yield
    }) : () -> ()
    %convert_element_type3A = arith.sitofp %scan3A_141#1 : vector<16xi32> to vector<16xf32>
    %swap3A_146 = arith.constant 0 : index
    %swap3A_147 = tpu.vector_load %arg10[%swap3A_146] {strides = array<i32>} : memref<16xf32, #tpu.memory_space<vmem>>, vector<16xf32>,
    tpu.vector_store %arg10[%swap3A_146], %convert_element_type3A {strides = array<i32>} : memref<16xf32, #tpu.memory_space<vmem>>, vector<16xf32>,
    %mul3A_148 = arith.constant 16 : i32
    %mul3A_149 = arith.muli %add3A, %mul3A_148 : i32
    "tpu.region"() ({
      %run_scoped3A = tpu.sem_alloc : memref<!tpu.dma_semaphore, #tpu.memory_space<semaphore_mem>>
      %dma_start3A_150 = tpu.memref_slice %arg6[%mul3A_149] : memref<512xf32, #tpu.memory_space<hbm>> -> memref<16xf32, #tpu.memory_space<hbm>>
      %dma_start3A_151 = tpu.memref_slice %arg6[%mul3A_149] : memref<512xf32, #tpu.memory_space<hbm>> -> memref<16xf32, #tpu.memory_space<hbm>>
      tpu.enqueue_dma source(%arg10 : memref<16xf32, #tpu.memory_space<vmem>>) target(%dma_start3A_151 : memref<16xf32, #tpu.memory_space<hbm>>) target_semaphore(%run_scoped3A : memref<!tpu.dma_semaphore, #tpu.memory_space<semaphore_mem>>)
      %dma_wait3A = tpu.memref_slice %arg6[%mul3A_149] : memref<512xf32, #tpu.memory_space<hbm>> -> memref<16xf32, #tpu.memory_space<hbm>>
      %dma_wait3A_152 = tpu.memref_slice %arg6[%mul3A_149] : memref<512xf32, #tpu.memory_space<hbm>> -> memref<16xf32, #tpu.memory_space<hbm>>
      tpu.wait_dma2 semaphore(%run_scoped3A : memref<!tpu.dma_semaphore, #tpu.memory_space<semaphore_mem>>) src(%arg10 : memref<16xf32, #tpu.memory_space<vmem>>) dst(%dma_wait3A_152 : memref<16xf32, #tpu.memory_space<hbm>>)
      tpu.yield
    }) : () -> ()
    return
  }
}

</mosaic_0001>

<sc_bundles>
// kernel: kernel.3.cloned.1.call-start
scs
__scs_entry_jumppad:
0x0: {  	(pc) =	sbr.rel $0x88, $3  }
0x1: {  	(tag) =	ssettag $0x0;
	lr =	simm.s32 $0x1  }
0x2: {  	[smem:$0x3F9E] =	sst lr;
	_ =	strace $0xD0000000  }
0x3: {  	_ = 	snop  }
0x4: {  	_ = 	snop  }
0x5: {  	_ = 	snop  }
0x6: {  	_ = 	snop  }
0x7: {  	_ = 	snop  }
__scs_overlays_trampoline_lowered:
0x8: {  	[smem:$0x3FAD] =	sst s0  }
0x9: {  	[smem:$0x3FAE] =	sst s1  }
0xa: {  	[smem:$0x3FAF] =	sst s2  }
0xb: {  	[smem:$0x3FB0] =	sst s3  }
0xc: {  	[smem:$0x3FB1] =	sst s4  }
0xd: {  	[smem:$0x3FB2] =	sst s5  }
0xe: {  	[smem:$0x3FB3] =	sst s6  }
0xf: {  	[smem:$0x3FB4] =	sst s7  }
0x10: {  	[smem:$0x3FB5] =	sst s8  }
0x11: {  	[smem:$0x3FB6] =	sst s9;
	s0 =	simm.s32 @!p0 $0x0  }
0x12: {  	s1 =	sld [smem:$0x3F9C];
	s0 =	simm.s32 @p0 $0x1  }
0x13: {  	[smem:$0x3FB7] =	sst s0;
	s0 =	simm.s32 @!p1 $0x0  }
0x14: {  	s2 =	sld [smem:$0x3F9B];
	s0 =	simm.s32 @p1 $0x1  }
0x15: {  	[smem:$0x3FB8] =	sst s0;
	s0 =	simm.s32 @!p2 $0x0  }
0x16: {  	s3 =	sld [smem:$0x3FDB];
	s0 =	simm.s32 @p2 $0x1  }
0x17: {  	s4 =	simm.s32 $0x1BF5;
	[smem:$0x3FBA] =	sst s0  }
0x18: {  	s0 =	sld [smem:$0x3F9D];
	_ =	swait.ge [sflag:s4], $0x0  }
0x19: {  	s7 =	sld [smem:$0x3F9E]  }
0x1a: {  	s8 =	sadd.s32 $0xFFFFE003, lr  }
0x1b: {  	s9 =	sadd.s32 $0xFFFFFEF7, lr;
	s5 =	simm.s32 $0xFFFFFFFF;
	p2 =	slt.u32 s8, $0xFFFFF086  }
0x1c: {  	p1 =	slt.u32 s9, $0xF7A;
	s5 =	simm.s32 @!p2 $0x0  }
0x1d: {  	s5 =	simm.s32 @p1 $0x1;
	p0 =	seq.s32 s7, s2  }
0x1e: {  	s7 =	smul.u32 @!p0 $0xF7A, s2;
	p2 =	seq.s32 @!p0 s5, $0x0  }
0x1f: {  	s9 =	smul.u32 $0xF7A, s1;
	s8 =	simm.s32 @!p0 $0x1BF5;
	p2 =	por !p2, p0  }
0x20: {  	[sflag:s8] =	ssyncset.s32 @!p0 $0xFFFFF086;
	s6 =	sadd.s32 @!p0 s3, s7;
	s7 =	simm.s32 @!p0 $0x108  }
0x21: {  	s3 =	sadd.s32 s3, s9;
	s6 =	sadd.s32 @!p0 $0x88, s6;
	s7 =	simm.s32 @p2 $0x1082  }
0x22: {  	[simem:s7], [sflag:s8] =	dma.local @!p0 [hbm:s6], $0xF7A  }
0x23: {  	s9 =	sor.u32 $0xD0000000, s2;
	s6 =	simm.s32 $0x108;
	_ =	swait.ge @!p0 [sflag:s8], $0x0  }
0x24: {  	s3 =	sadd.s32 $0x88, s3;
	s6 =	simm.s32 @!p1 $0x1082;
	[sflag:s4] =	ssyncset.s32 $0xFFFFF086  }
0x25: {  	[simem:s6], [sflag:s4] =	dma.local [hbm:s3], $0xF7A  }
0x26: {  	[smem:$0x3F9E] =	sst s1;
	(tag) =	ssettag s2;
	_ =	strace s9  }
0x27: {  	s1 =	sld [smem:$0x3FAE]  }
0x28: {  	s2 =	sld [smem:$0x3FAF]  }
0x29: {  	s4 =	sld [smem:$0x3FB1]  }
0x2a: {  	p0 =	seq.s32 s5, $0x0;
	s5 =	sld [smem:$0x3FB2]  }
0x2b: {  	s6 =	sld [smem:$0x3FB3]  }
0x2c: {  	s7 =	sld [smem:$0x3FB4]  }
0x2d: {  	s3 =	simm.s32 $0x108;
	s8 =	sld [smem:$0x3FB5]  }
0x2e: {  	s3 =	simm.s32 @!p0 $0x1082;
	s9 =	sld [smem:$0x3FB6]  }
0x2f: {  	lr =	sadd.s32 s0, s3;
	s0 =	sld [smem:$0x3FAD]  }
0x30: {  	s3 =	sld [smem:$0x3FB0]  }
0x31: {  	[smem:$0x3FB9] =	sst s10  }
0x32: {  	s10 =	sld [smem:$0x3FB7];
	_ =	sdelay $0x3  }
0x33: {  	p0 =	seq.s32 s10, $0x1;
	s10 =	sld [smem:$0x3FB9];
	_ =	sdelay $0x3  }
0x34: {  	[smem:$0x3FB9] =	sst s10  }
0x35: {  	s10 =	sld [smem:$0x3FB8];
	_ =	sdelay $0x3  }
0x36: {  	p1 =	seq.s32 s10, $0x1;
	s10 =	sld [smem:$0x3FB9];
	_ =	sdelay $0x3  }
0x37: {  	[smem:$0x3FB9] =	sst s10  }
0x38: {  	s10 =	sld [smem:$0x3FBA]  }
0x39: {  	_ = 	snop;
	(pc) =	sbr.ind lr, $3  }
0x3a: {  	_ = 	snop  }
0x3b: {  	_ = 	snop  }
0x3c: {  	p2 =	seq.s32 s10, $0x1;
	s10 =	sld [smem:$0x3FB9]  }
0x3d: {  	_ =	shalt  }
0x3e: {  	_ =	shalt  }
0x3f: {  	_ =	shalt  }
0x40: {  	_ =	shalt  }
0x41: {  	_ =	shalt  }
0x42: {  	_ =	shalt  }
0x43: {  	_ =	shalt  }
0x44: {  	_ =	shalt  }
0x45: {  	_ =	shalt  }
0x46: {  	_ =	shalt  }
0x47: {  	_ =	shalt  }
0x48: {  	_ =	shalt  }
0x49: {  	_ =	shalt  }
0x4a: {  	_ =	shalt  }
0x4b: {  	_ =	shalt  }
0x4c: {  	_ =	shalt  }
0x4d: {  	_ =	shalt  }
0x4e: {  	_ =	shalt  }
0x4f: {  	_ =	shalt  }
0x50: {  	_ =	shalt  }
0x51: {  	_ =	shalt  }
0x52: {  	_ =	shalt  }
0x53: {  	_ =	shalt  }
0x54: {  	_ =	shalt  }
0x55: {  	_ =	shalt  }
0x56: {  	_ =	shalt  }
0x57: {  	_ =	shalt  }
0x58: {  	_ =	shalt  }
0x59: {  	_ =	shalt  }
0x5a: {  	_ =	shalt  }
0x5b: {  	_ =	shalt  }
0x5c: {  	_ =	shalt  }
0x5d: {  	_ =	shalt  }
0x5e: {  	_ =	shalt  }
0x5f: {  	_ =	shalt  }
0x60: {  	_ =	shalt  }
0x61: {  	_ =	shalt  }
0x62: {  	_ =	shalt  }
0x63: {  	_ =	shalt  }
0x64: {  	_ =	shalt  }
0x65: {  	_ =	shalt  }
0x66: {  	_ =	shalt  }
0x67: {  	_ =	shalt  }
0x68: {  	_ =	shalt  }
0x69: {  	_ =	shalt  }
0x6a: {  	_ =	shalt  }
0x6b: {  	_ =	shalt  }
0x6c: {  	_ =	shalt  }
0x6d: {  	_ =	shalt  }
0x6e: {  	_ =	shalt  }
0x6f: {  	_ =	shalt  }
0x70: {  	_ =	shalt  }
0x71: {  	_ =	shalt  }
0x72: {  	_ =	shalt  }
0x73: {  	_ =	shalt  }
0x74: {  	_ =	shalt  }
0x75: {  	_ =	shalt  }
0x76: {  	_ =	shalt  }
0x77: {  	_ =	shalt  }
0x78: {  	_ =	shalt  }
0x79: {  	_ =	shalt  }
0x7a: {  	_ =	shalt  }
0x7b: {  	_ =	shalt  }
0x7c: {  	_ =	shalt  }
0x7d: {  	_ =	shalt  }
0x7e: {  	_ =	shalt  }
0x7f: {  	_ =	shalt  }
0x80: {  	_ =	shalt  }
0x81: {  	_ =	shalt  }
0x82: {  	_ =	shalt  }
0x83: {  	_ =	shalt  }
0x84: {  	_ =	shalt  }
0x85: {  	_ =	shalt  }
0x86: {  	_ =	shalt  }
0x87: {  	_ =	shalt  }
.Lfunc_end0:
.L_simem_size_0:
called_computation_lowered:
.L_overlay_start_0:
0x88: {  	s2 =	sld [smem:$0x3FD9]  }
0x89: {  	s3 =	sld [smem:$0x3FFE];
	_ =	sdelay $0x1  }
0x8a: {  	s1 =	srdreg.scid  }
0x8b: {  	s0 =	sand.u32 $0x1, s1  }
0x8c: {  	s17 =	sshll.u32 s0, $0xA;
	s2 =	sadd.s32 s3, s2  }
0x8d: {  	s2 =	sadd.s32 s2, s17  }
0x8e: {  	[smem:$0x3FC5] =	sst s2  }
0x8f: {  	_ = 	snop  }
0x90: {  	s2 =	sld [smem:$0x3FC9]  }
0x91: {  	s18 =	sld [smem:$0x3FC8];
	(tm) =	ssettm $0x1  }
0x92: {  	s4 =	sld [smem:$0x3FFB];
	_ =	sdelay $0x3  }
0x93: {  	_ =	strace s4  }
0x94: {  	s4 =	sld [smem:$0x3FFC];
	_ =	sdelay $0x3  }
0x95: {  	_ =	strace s4  }
0x96: {  	s4 =	sld [smem:$0x3FFD];
	_ =	sdelay $0x3  }
0x97: {  	_ =	strace s4  }
0x98: {  	_ =	strace $0x8FFFFFFF  }
0x99: {  	s19 =	sld [smem:$0x3FDB];
	_ =	sdelay $0x1  }
0x9a: {  	s5 =	simm.s32 $_scs_section_size  }
0x9b: {  	s6 =	simm.s32 $_size__tile_overlayer_lowered;
	s7 =	simm.s32 $_tile_overlayer_lowered  }
0x9c: {  	s22 =	simm.s32 $0x1BFF;
	s21 =	sshll.u32 s7, $0x1;
	s4 =	sadd.s32 s5, s19  }
0x9d: {  	s8 =	simm.s32 $0x0;
	s20 =	sshll.u32 s6, $0x1;
	s6 =	sadd.s32 s21, s4  }
0x9e: {  	[timem:s8], [sflag:s22] =	dma.local [hbm:s6], s20  }
0x9f: {  	_ =	swait.ge [sflag:s22], s20  }
0xa0: {  	s5 =	ssub.s32 $0x0, s20;
	[sflag:s22] =	ssyncset.done $0x0  }
0xa1: {  	[sflag:s22] =	ssyncadd.s32 s5;
	_ =	sdelay $0x1  }
0xa2: {  	s23 =	simm.s32 $0x1B8B  }
0xa3: {  	_ =	swait.ge [sflag:s23], $0x1  }
0xa4: {  	[sflag:s23] =	ssyncset.done $0x0  }
0xa5: {  	s25 =	simm.s32 $0x1B8E;
	s24 =	sld [smem:$0x3FFE];
	[sflag:s23] =	ssyncadd.s32 $0xFFFFFFFF  }
0xa6: {  	s26 =	simm.s32 $execute0_lowered;
	[smem:$0x3FD2] =	sst s25  }
0xa7: {  	s6 =	sshll.u32 s26, $0x1;
	_ =	strace $0x80000046;
	[dreg:$0x1] =	wrdreg $0xFFFFFFFF  }
0xa8: {  	s28 =	simm.s32 $_size_execute0_lowered;
	s4 =	sadd.s32 s4, s6;
	[dreg:$0x0] =	wrdreg $0x0  }
0xa9: {  	s6 =	sshll.u32 s28, $0x1;
	[dreg:$0x2] =	wrdreg s4  }
0xaa: {  	[dreg:$0x3] =	wrdreg s6  }
0xab: {  	[dreg:$0x4] =	wrdreg $0xC0  }
0xac: {  	_ =	task [dreg:s8], $0x5FFFF  }
0xad: {  	[dreg:$0x1] =	wrdreg $0xFFFFFFFF  }
0xae: {  	[dreg:$0x0] =	wrdreg $0x60  }
0xaf: {  	[dreg:$0x2] =	wrdreg s2  }
0xb0: {  	[dreg:$0x3] =	wrdreg s18  }
0xb1: {  	[dreg:$0x4] =	wrdreg s24  }
0xb2: {  	[dreg:$0x5] =	wrdreg $0x9  }
0xb3: {  	_ =	task.clear_ibuf [dreg:s8], $0x6FFFF;
	_ =	strace $0x90000046  }
0xb4: {  	s29 =	simm.s32 $0x9;
	_ =	strace $0x80000048  }
0xb5: {  	_ =	swait.ge [sflag:s29], $0x1  }
0xb6: {  	[sflag:s29] =	ssyncadd.s32 $0xFFFFFFFF  }
0xb7: {  	_ =	strace $0x90000048  }
0xb8: {  	_ =	sfence  }
0xb9: {  	s30 =	sld [smem:$0x0];
	_ =	sdelay $0x2  }
0xba: {  	s31 =	sshll.u32 s1, $0xD;
	s1 =	sshrl.u32 s1, $0x2  }
0xbb: {  	s3 =	sand.u32 $0x4000, s31;
	s1 =	sadd.s32 s1, s30  }
0xbc: {  	s0 =	sor.u32 s3, s0;
	s1 =	sshll.u32 s1, $0x11  }
0xbd: {  	s0 =	sor.u32 s1, s0  }
0xbe: {  	s0 =	sadd.s32 $0x8F2B, s0  }
0xbf: {  	[sflag:s0] =	ssyncadd.remote.s32 $0x1  }
0xc0: {  	_ =	sfence.sel $0xFFFF  }
0xc1: {  	[dreg:$0x0] =	wrdreg $0xFFFFFFFF;
	(pc) =	sbr.abs _section_cstart, $3  }
0xc2: {  	[dreg:$0x1] =	wrdreg $0xFFFFFFFF  }
0xc3: {  	_ =	task.clear_ibuf [dreg:s8], $0x2FFFF;
	_ =	strace $0x9FFFFFFF  }
0xc4: {  	(tm) =	ssettm $0x7FFFFFFF  }
0xc5: {  	_ =	shalt  }
tec
execute0_lowered:
.L_overlay_start_1:
0x0: {  	(tag) =	ssettag $0x1  }
0x1: {  	s1 =	rddreg [dreg:$0x0]  }
0x2: {  	s3 =	rddreg [dreg:$0x1];
	s0 =	srdreg.scid  }
0x3: {  	s4 =	stileid.u32;
	s9 =	rddreg [dreg:$0x2]  }
0x4: {  	s5 =	simm.s32 $0x0;
	s19 =	simm.s32 $0x2;
	s28 =	simm.s32 $0x0  }
0x5: {  	s31 =	simm.s32 $0x0;
	s0 =	sand.u32 $0x1, s0;
	s2 =	sshll.u32 s4, $0x1  }
0x6: {  	s4 =	sshrl.u32 s4, $0x1;
	[smem:$0x7FF] =	sst s5;
	s2 =	sor.u32 s0, s2  }
0x7: {  	s6 =	smul.u32 $0x140000, s4;
	s7 =	sshll.u32 s2, $0x10;
	s2 =	sshll.u32 s2, $0x1  }
0x8: {  	s7 =	sand.u32 $0x30000, s7;
	s2 =	sadd.s32 s2, s9;
	s9 =	sshll.u32 s4, $0x12  }
0x9: {  	_ =	strace $0x80000047;
	s8 =	sor.u32 s6, s7;
	s24 =	sor.u32 s9, s7  }
0xa: {  	s30 =	sadd.s32 $0x200, s2;
	s8 =	sshrl.u32 s8, $0x3;
	s4 =	sshrl.u32 s24, $0x3  }
0xb: {  	[dreg:$0xd] =	wrdreg s30;
	s8 =	sadd.s32 s1, s8;
	s4 =	sadd.s32 s3, s4  }
0xc: {  	s0 =	ssub.s32 $0x2, s0;
	s23 =	sadd.s32 $0x8000, s8;
	[dreg:$0xc] =	wrdreg s4  }
0xd: {  	s10 =	sshrl.u32 s0, $0x1;
	s25 =	sadd.s32 $0x10000, s8;
	[dreg:$0x8] =	wrdreg s23  }
0xe: {  	s0 =	ssub.s32 s0, s10;
	s26 =	sadd.s32 $0x18000, s8;
	[dreg:$0x9] =	wrdreg s25  }
0xf: {  	s16 =	sadd.s32 $0x400, s2;
	s29 =	sadd.s32 $0x20000, s8;
	[dreg:$0xa] =	wrdreg s26  }
0x10: {  	s17 =	smax.u32 s0, $0x1;
	[dreg:$0xb] =	wrdreg s29;
	s25 =	simm.s32 $0x1  }
.LBB2_1:
0x11: {  	s0 =	rddreg [dreg:$0x2];
	s2 =	simm.s32 $0x18000  }
0x12: {  	[tilespmem:s2], [sflag:$0x2] =	stream.linear.gather [hbm4b:s0+s5], $0x80, $0x38;
	[tilespmem:$0x18100] =	vst v63  }
0x13: {  	_ =	swait.ge [sflag:s19], $0x80  }
0x14: {  	[sflag:s19] =	ssyncset.done $0x0  }
0x15: {  	[sflag:s19] =	ssyncadd.s32 $0xFFFFFF80  }
0x16: {  	v0 =	vld [tilespmem:$0x18000];
	[tilespmem:s5], [sflag:$0x1] =	stream.linear.gather [hbm4b:s8+s5], $0x2000, $0x38  }
0x17: {  	s15 =	simm.s32 $0x2000;
	s14 =	rddreg [dreg:$0x8]  }
0x18: {  	[tilespmem:s15], [sflag:$0x1] =	stream.linear.gather [hbm4b:s14+s5], $0x2000, $0x38;
	[tilespmem:$0x18100] =	vst v63  }
0x19: {  	s20 =	simm.s32 $0x4000;
	s18 =	rddreg [dreg:$0x9]  }
0x1a: {  	[tilespmem:s20], [sflag:$0x1] =	stream.linear.gather [hbm4b:s18+s5], $0x2000, $0x38;
	[tilespmem:$0x18100] =	vst v63  }
0x1b: {  	s22 =	simm.s32 $0x6000;
	s21 =	rddreg [dreg:$0xa]  }
0x1c: {  	[tilespmem:s22], [sflag:$0x1] =	stream.linear.gather [hbm4b:s21+s5], $0x2000, $0x38;
	[tilespmem:$0x18100] =	vst v63  }
0x1d: {  	s24 =	simm.s32 $0x8000;
	s23 =	rddreg [dreg:$0xb]  }
0x1e: {  	[tilespmem:s24], [sflag:$0x1] =	stream.linear.gather [hbm4b:s23+s5], $0x2000, $0x38;
	[tilespmem:$0x18100] =	vst v63  }
0x1f: {  	s30 =	simm.s32 $0x14000;
	s29 =	simm.s32 $0x0;
	s26 =	rddreg [dreg:$0xc]  }
0x20: {  	v8 =	vimm.f32 $0.0e+00;
	v3 =	vimm.s32 $0x0;
	[tilespmem:s30], [sflag:$0x1] =	stream.linear.gather [hbm4b:s26+s5], $0x2000, $0x38;
	[tilespmem:$0x18100] =	vst v63  }
.LBB2_3:
0x21: {  	_ =	swait.ge [sflag:s25], $0x2000  }
0x22: {  	[sflag:s25] =	ssyncset.done $0x0  }
0x23: {  	[sflag:s25] =	ssyncadd.s32 $0xFFFFE000  }
0x24: {  	_ =	swait.ge [sflag:s25], $0x2000  }
0x25: {  	[sflag:s25] =	ssyncset.done $0x0  }
0x26: {  	[sflag:s25] =	ssyncadd.s32 $0xFFFFE000  }
0x27: {  	_ =	swait.ge [sflag:s25], $0x2000  }
0x28: {  	[sflag:s25] =	ssyncset.done $0x0  }
0x29: {  	[sflag:s25] =	ssyncadd.s32 $0xFFFFE000  }
0x2a: {  	_ =	swait.ge [sflag:s25], $0x2000  }
0x2b: {  	s0 =	smov.u32 s29;
	[sflag:s25] =	ssyncset.done $0x0  }
0x2c: {  	s29 =	sadd.s32 $0x1, s29;
	p0 =	seq.s32 s0, $0x7;
	[sflag:s25] =	ssyncadd.s32 $0xFFFFE000  }
0x2d: {  	s0 =	sand.u32 $0x1, s0;
	s2 =	sshll.u32 @!p0 s29, $0xD;
	_ =	swait.ge [sflag:s25], $0x2000  }
0x2e: {  	s4 =	sxor.u32 @!p0 $0x1, s0;
	s12 =	simm.s32 @!p0 $0x0;
	[sflag:s25] =	ssyncset.done $0x0  }
0x2f: {  	s24 =	sshll.u32 s0, $0xD;
	s2 =	sadd.s32 @!p0 s7, s2;
	[sflag:s25] =	ssyncadd.s32 $0xFFFFE000  }
0x30: {  	s11 =	smul.u32 @!p0 $0x28000, s4;
	s10 =	sadd.s32 @!p0 s6, s2;
	_ =	swait.ge [sflag:s25], $0x2000  }
0x31: {  	s0 =	smul.u32 $0x28000, s0;
	s10 =	sshrl.u32 @!p0 s10, $0x3;
	[sflag:s25] =	ssyncset.done $0x0  }
0x32: {  	s11 =	sshrl.u32 @!p0 s11, $0x2;
	s10 =	sadd.s32 @!p0 s1, s10;
	[sflag:s25] =	ssyncadd.s32 $0xFFFFE000  }
0x33: {  	[tilespmem:s11], [sflag:$0x1] =	stream.linear.gather @!p0 [hbm4b:s10+s12], $0x2000, $0x38;
	[tilespmem:$0x18100] =	vst v63  }
0x34: {  	s4 =	sshll.u32 @!p0 s4, $0xD;
	s13 =	sadd.s32 @!p0 $0x2000, s11;
	s14 =	sadd.s32 @!p0 $0x8000, s10  }
0x35: {  	[tilespmem:s13], [sflag:$0x1] =	stream.linear.gather @!p0 [hbm4b:s14+s12], $0x2000, $0x38;
	[tilespmem:$0x18100] =	vst v63  }
0x36: {  	s26 =	sor.u32 $0x14000, s24;
	s13 =	sadd.s32 @!p0 $0x4000, s11;
	s14 =	sadd.s32 @!p0 $0x10000, s10  }
0x37: {  	[tilespmem:s13], [sflag:$0x1] =	stream.linear.gather @!p0 [hbm4b:s14+s12], $0x2000, $0x38;
	[tilespmem:$0x18100] =	vst v63  }
0x38: {  	s2 =	sadd.s32 @!p0 s9, s2;
	s13 =	sadd.s32 @!p0 $0x6000, s11;
	s14 =	sadd.s32 @!p0 $0x18000, s10  }
0x39: {  	[tilespmem:s13], [sflag:$0x1] =	stream.linear.gather @!p0 [hbm4b:s14+s12], $0x2000, $0x38;
	[tilespmem:$0x18100] =	vst v63  }
0x3a: {  	s2 =	sshrl.u32 @!p0 s2, $0x3;
	s11 =	sadd.s32 @!p0 $0x8000, s11;
	s10 =	sadd.s32 @!p0 $0x20000, s10  }
0x3b: {  	v1 =	vmov s26;
	[tilespmem:s11], [sflag:$0x1] =	stream.linear.gather @!p0 [hbm4b:s10+s12], $0x2000, $0x38;
	[tilespmem:$0x18100] =	vst v63  }
0x3c: {  	s4 =	sor.u32 @!p0 $0x14000, s4;
	s30 =	sshrl.u32 s0, $0x2;
	s2 =	sadd.s32 @!p0 s3, s2  }
0x3d: {  	[tilespmem:s4], [sflag:$0x1] =	stream.linear.gather @!p0 [hbm4b:s2+s12], $0x2000, $0x38;
	[tilespmem:$0x18100] =	vst v63  }
0x3e: {  	v2 =	vmov s30;
	s2 =	simm.s32 $0x0  }
.LBB2_4:
0x3f: {  	s0 =	sshll.u32 s2, $0x9  }
0x40: {  	s4 =	sshll.u32 s2, $0x7;
	s0 =	sand.u32 $0x1000, s0  }
0x41: {  	s4 =	sand.u32 $0x380, s4;
	s10 =	sadd.s32 s0, s30  }
0x42: {  	s0 =	sor.u32 s0, s4;
	s4 =	sadd.s32 s4, s10  }
0x43: {  	s11 =	sand.u32 $0x40, s31;
	[dreg:$0x4] =	wrdreg s0;
	s22 =	sadd.s32 $0x2000, s4  }
0x44: {  	s12 =	sand.u32 $0xC00, s31;
	s23 =	sadd.s32 $0x4000, s4;
	[dreg:$0x5] =	wrdreg s22  }
0x45: {  	s24 =	sadd.s32 $0x6000, s4;
	s0 =	sadd.s32 $0x8000, s4;
	[dreg:$0x6] =	wrdreg s23  }
0x46: {  	s14 =	sor.u32 $0x10, s11;
	[dreg:$0x7] =	wrdreg s24;
	s4 =	sadd.s32 s12, s0  }
0x47: {  	s10 =	sor.u32 $0x30, s11;
	s26 =	rddreg [dreg:$0x7];
	s20 =	sadd.s32 s14, s4  }
0x48: {  	s13 =	rddreg [dreg:$0x6];
	s22 =	sadd.s32 s11, s4;
	s21 =	sadd.s32 s12, s26;
	v9 =	vld [tilespmem:s20+$0x0]  }
0x49: {  	s15 =	rddreg [dreg:$0x4];
	s13 =	sadd.s32 s12, s13;
	v10 =	vld [tilespmem:s22+$0x0];
	s24 =	sadd.s32 s10, s21  }
0x4a: {  	s18 =	rddreg [dreg:$0x5];
	s22 =	sor.u32 $0x20, s11;
	s23 =	sadd.s32 s10, s13;
	v11 =	vld [tilespmem:s24+$0x0]  }
0x4b: {  	s18 =	sadd.s32 s12, s18;
	s12 =	sor.u32 s12, s15;
	s26 =	sadd.s32 s22, s13;
	v12 =	vld [tilespmem:s23+$0x0]  }
0x4c: {  	s15 =	sor.u32 s10, s12;
	v14 =	vld [tilespmem:s26+$0x0]  }
0x4d: {  	v15 =	vld.idx.msk [tilespmem:v2+s15+$0x0 ss:$0x1], $0xffff  }
0x4e: {  	s24 =	sadd.s32 s10, s18;
	v4 =	vld.idx.msk [tilespmem:v1+s15+$0x0 ss:$0x1], $0xffff  }
0x4f: {  	s26 =	sor.u32 s22, s12;
	v13 =	vld [tilespmem:s24+$0x0]  }
0x50: {  	s15 =	sadd.s32 s11, s21;
	v17 =	vld.idx.msk [tilespmem:v2+s26+$0x0 ss:$0x1], $0xffff  }
0x51: {  	v18 =	vld [tilespmem:s15+$0x0]  }
0x52: {  	s24 =	sadd.s32 s22, s18;
	v6 =	vld.idx.msk [tilespmem:v1+s26+$0x0 ss:$0x1], $0xffff  }
0x53: {  	s26 =	sadd.s32 s11, s13;
	v16 =	vld [tilespmem:s24+$0x0]  }
0x54: {  	s24 =	sor.u32 s14, s12;
	v19 =	vld [tilespmem:s26+$0x0]  }
0x55: {  	s12 =	sor.u32 s11, s12;
	v5 =	vld.idx.msk [tilespmem:v1+s24+$0x0 ss:$0x1], $0xffff  }
0x56: {  	v7 =	vld.idx.msk [tilespmem:v1+s12+$0x0 ss:$0x1], $0xffff  }
0x57: {  	s11 =	sadd.s32 s11, s18;
	v20 =	vld.idx.msk [tilespmem:v2+s12+$0x0 ss:$0x1], $0xffff  }
0x58: {  	s15 =	sadd.s32 s14, s18;
	v21 =	vld [tilespmem:s11+$0x0];
	vm2 =	veq.s32 v4, $0x3;
	vm1 =	veq.s32 v4, $0x4;
	vm0 =	vlt.s32 v4, $0x1  }
0x59: {  	v23 =	vld [tilespmem:s15+$0x0];
	vm6 =	veq.s32 v4, $0x2;
	vm8 =	veq.s32 v4, $0x1;
	vm4 =	veq.s32 v6, $0x3  }
0x5a: {  	s18 =	sadd.s32 s14, s13;
	v22 =	vld.idx.msk [tilespmem:v2+s24+$0x0 ss:$0x1], $0xffff;
	vm3 =	veq.s32 v6, $0x4;
	vm11 =	veq.s32 v6, $0x1;
	v13 =	vsel vm8, v13, v15  }
0x5b: {  	s20 =	sadd.s32 s14, s21;
	v24 =	vld [tilespmem:s18+$0x0];
	vm7 =	veq.s32 v6, $0x2;
	v16 =	vsel vm11, v16, v17;
	v12 =	vsel vm6, v12, v13  }
0x5c: {  	v25 =	vld [tilespmem:s20+$0x0];
	s23 =	sadd.s32 s22, s21;
	vm5 =	veq.s32 v5, $0x4;
	vm9 =	veq.s32 v7, $0x4;
	vm12 =	veq.s32 v7, $0x1  }
0x5d: {  	s24 =	sadd.s32 s22, s4;
	vm10 =	veq.s32 v5, $0x3;
	v20 =	vsel vm12, v21, v20;
	vm12 =	veq.s32 v7, $0x2;
	v21 =	vld [tilespmem:s23+$0x0]  }
0x5e: {  	s4 =	sadd.s32 s10, s4;
	v17 =	vld [tilespmem:s24+$0x0];
	vm13 =	veq.s32 v7, $0x3;
	vm15 =	veq.s32 v5, $0x1;
	v19 =	vsel vm12, v19, v20  }
0x5f: {  	v13 =	vld [tilespmem:s4+$0x0];
	vm14 =	veq.s32 v5, $0x2;
	v15 =	vsel vm13, v18, v19;
	v18 =	vsel vm15, v23, v22  }
0x60: {  	v14 =	vsel vm7, v14, v16;
	v10 =	vsel vm9, v10, v15;
	v15 =	vsel vm14, v24, v18  }
0x61: {  	v11 =	vsel vm2, v11, v12;
	v10 =	vmax.f32 v10, $9.999999740e-06;
	v15 =	vsel vm10, v25, v15  }
0x62: {  	v12 =	vand.u32 $0x7FFFFF, v10;
	v9 =	vsel vm5, v9, v15;
	v14 =	vsel vm4, v21, v14  }
0x63: {  	v12 =	vcvt.s32.f32 v12;
	v15 =	vmax.f32 v9, $9.999999740e-06;
	v9 =	vsel vm3, v17, v14  }
0x64: {  	v14 =	vand.u32 $0x7FFFFF, v15;
	v16 =	vmax.f32 v9, $9.999999740e-06;
	v9 =	vsel vm1, v13, v11  }
0x65: {  	v11 =	vmul.f32 $1.107934910e-29, v12;
	v13 =	vcvt.s32.f32 v14;
	v14 =	vand.u32 $0x7FFFFF, v16  }
0x66: {  	vm2 =	vlt.s32 v7, $0x1;
	v17 =	vmax.f32 v9, $9.999999740e-06;
	v14 =	vcvt.s32.f32 v14  }
0x67: {  	v18 =	vand.u32 $0x7FFFFF, v17;
	v9 =	vsub.f32 $3.666102190e-22, v11;
	v11 =	vmul.f32 $1.107934910e-29, v13  }
0x68: {  	v59 =	vshrl.u32 v0, v7;
	v18 =	vcvt.s32.f32 v18;
	v19 =	vmul.f32 $1.107934910e-29, v14  }
0x69: {  	v20 =	vshrl.u32 v0, v6;
	v9 =	vmul.f32 v12, v9;
	v11 =	vsub.f32 $3.666102190e-22, v11  }
0x6a: {  	v23 =	vshrl.u32 v0, v5;
	v22 =	vmul.f32 $1.107934910e-29, v18;
	v19 =	vsub.f32 $3.666102190e-22, v19  }
0x6b: {  	v20 =	vand.u32 $0x1, v20;
	v9 =	vadd.f32 $-6.594839710e-15, v9;
	v11 =	vmul.f32 v13, v11  }
0x6c: {  	v23 =	vand.u32 $0x1, v23;
	v22 =	vsub.f32 $3.666102190e-22, v22;
	v19 =	vmul.f32 v14, v19  }
0x6d: {  	v24 =	vand.u32 $0x1, v59;
	v9 =	vmul.f32 v12, v9;
	v11 =	vadd.f32 $-6.594839710e-15, v11  }
0x6e: {  	s26 =	simm.s32 $0x40;
	s4 =	simm.s32 $0x200;
	v24 =	vcvt.s32.f32 v24;
	v22 =	vmul.f32 v18, v22;
	v19 =	vadd.f32 $-6.594839710e-15, v19  }
0x6f: {  	s24 =	sand.u32 $0x40, s26;
	s13 =	sand.u32 $0xC00, s4;
	v21 =	vshrl.u32 v0, v4;
	v9 =	vadd.f32 $3.603451760e-08, v9;
	v11 =	vmul.f32 v13, v11  }
0x70: {  	s11 =	rddreg [dreg:$0x7];
	s21 =	sor.u32 $0x10, s24;
	s18 =	sadd.s32 s13, s0;
	v60 =	vcvt.s32.f32 v10;
	v22 =	vadd.f32 $-6.594839710e-15, v22;
	v19 =	vmul.f32 v14, v19  }
0x71: {  	s12 =	rddreg [dreg:$0x6];
	s20 =	sadd.s32 s21, s18;
	v15 =	vcvt.s32.f32 v15;
	v12 =	vmul.f32 v12, v9;
	v11 =	vadd.f32 $3.603451760e-08, v11  }
0x72: {  	s22 =	sadd.s32 s13, s11;
	s23 =	sadd.s32 s24, s18;
	v25 =	vmul.f32 $8.262958320e-08, v60;
	v9 =	vld [tilespmem:s20+$0x0];
	s20 =	sor.u32 $0x30, s24;
	v22 =	vmul.f32 v18, v22;
	v19 =	vadd.f32 $3.603451760e-08, v19  }
0x73: {  	s15 =	rddreg [dreg:$0x5];
	s11 =	sadd.s32 s13, s12;
	v10 =	vld [tilespmem:s23+$0x0];
	v16 =	vcvt.s32.f32 v16;
	s26 =	sadd.s32 s20, s22;
	v26 =	vadd.f32 $-8.802954860e+01, v12;
	v13 =	vmul.f32 v13, v11  }
0x74: {  	s12 =	sadd.s32 s13, s15;
	v17 =	vcvt.s32.f32 v17;
	s15 =	sadd.s32 s20, s11;
	v11 =	vld [tilespmem:s26+$0x0];
	v14 =	vmul.f32 v14, v19;
	v19 =	vadd.f32 $3.603451760e-08, v22  }
0x75: {  	s10 =	sor.u32 $0x20, s24;
	v61 =	vmul.f32 $8.262958320e-08, v15;
	s26 =	sadd.s32 s20, s12;
	v12 =	vld [tilespmem:s15+$0x0];
	v22 =	vadd.f32 v26, v25;
	v13 =	vadd.f32 $-8.802954860e+01, v13  }
0x76: {  	s14 =	rddreg [dreg:$0x4];
	v63 =	vmul.f32 $8.262958320e-08, v17;
	v15 =	vld [tilespmem:s26+$0x0];
	s26 =	sadd.s32 s10, s12;
	v62 =	vadd.f32 $-8.802954860e+01, v14;
	v18 =	vmul.f32 v18, v19  }
0x77: {  	s13 =	sor.u32 s13, s14;
	s23 =	sadd.s32 s10, s11;
	v17 =	vld [tilespmem:s26+$0x0];
	v19 =	vadd.f32 $9.999999740e-06, v22;
	v13 =	vadd.f32 v13, v61;
	v22 =	vmul.f32 $8.262958320e-08, v16  }
0x78: {  	v23 =	vcvt.s32.f32 v23;
	v21 =	vand.u32 $0x1, v21;
	s15 =	sor.u32 s20, s13;
	v14 =	vld [tilespmem:s23+$0x0];
	v18 =	vadd.f32 $-8.802954860e+01, v18  }
0x79: {  	v16 =	vld.idx.msk [tilespmem:v2+s15+$0x0 ss:$0x1], $0xffff;
	v24 =	vmul.f32 v24, v19;
	v27 =	vadd.f32 $9.999999740e-06, v13;
	v26 =	vadd.f32 v62, v22  }
0x7a: {  	s14 =	sor.u32 s10, s13;
	vm1 =	vlt.s32 v6, $0x1;
	v13 =	vld.idx.msk [tilespmem:v1+s15+$0x0 ss:$0x1], $0xffff;
	v19 =	vcvt.s32.f32 v20;
	v20 =	vadd.f32 v18, v63  }
0x7b: {  	s26 =	sadd.s32 s24, s22;
	s23 =	simm.s32 $0x80;
	v18 =	vld.idx.msk [tilespmem:v2+s14+$0x0 ss:$0x1], $0xffff;
	v8 =	vadd.f32 v24, v8;
	v22 =	vmul.f32 v23, v27;
	v23 =	vadd.f32 $9.999999740e-06, v26  }
.LBB2_5:
0x7c: {  	v24 =	vld [tilespmem:s26+$0x0];
	v7 =	vnsel vm2, $0x1, v7;
	vm2 =	vlt.s32 v5, $0x1;
	v21 =	vcvt.s32.f32 v21  }
0x7d: {  	s26 =	sor.u32 s21, s13;
	v25 =	vld.idx.msk [tilespmem:v1+s14+$0x0 ss:$0x1], $0xffff;
	v8 =	vadd.f32 v22, v8;
	v19 =	vmul.f32 v19, v23;
	v20 =	vadd.f32 $9.999999740e-06, v20  }
0x7e: {  	s13 =	sor.u32 s24, s13;
	v6 =	vnsel vm1, $0x1, v6;
	v3 =	vadd.s32 v3, v7;
	v22 =	vnsel vm2, $0x1, v5;
	v5 =	vld.idx.msk [tilespmem:v1+s26+$0x0 ss:$0x1], $0xffff  }
0x7f: {  	s14 =	sadd.s32 s21, s12;
	v7 =	vld.idx.msk [tilespmem:v1+s13+$0x0 ss:$0x1], $0xffff;
	v3 =	vadd.s32 v22, v3;
	v8 =	vadd.f32 v19, v8;
	v19 =	vmul.f32 v21, v20  }
0x80: {  	v22 =	vld [tilespmem:s14+$0x0];
	v3 =	vadd.s32 v6, v3;
	v6 =	vnsel vm0, $0x1, v4  }
0x81: {  	s15 =	sadd.s32 s24, s11;
	s24 =	sadd.s32 s24, s12;
	v4 =	vmov v13;
	v13 =	vld.idx.msk [tilespmem:v2+s13+$0x0 ss:$0x1], $0xffff;
	v3 =	vadd.s32 v6, v3;
	v8 =	vadd.f32 v19, v8  }
0x82: {  	v19 =	vld [tilespmem:s24+$0x0];
	vm3 =	veq.s32 v4, $0x3;
	vm1 =	veq.s32 v4, $0x4;
	vm0 =	vlt.s32 v4, $0x1  }
0x83: {  	v20 =	vld [tilespmem:s15+$0x0];
	vm4 =	veq.s32 v25, $0x3;
	vm2 =	veq.s32 v25, $0x4;
	vm6 =	veq.s32 v4, $0x2  }
0x84: {  	v21 =	vld.idx.msk [tilespmem:v2+s26+$0x0 ss:$0x1], $0xffff;
	s15 =	sadd.s32 s21, s11;
	vm8 =	veq.s32 v4, $0x1;
	vm5 =	veq.s32 v5, $0x4;
	vm9 =	veq.s32 v7, $0x4  }
0x85: {  	v23 =	vld [tilespmem:s15+$0x0];
	s24 =	sadd.s32 s21, s22;
	vm10 =	veq.s32 v5, $0x3;
	vm12 =	veq.s32 v7, $0x1;
	vm13 =	veq.s32 v7, $0x3  }
0x86: {  	s26 =	sadd.s32 s10, s22;
	v6 =	vmovc v25;
	vm14 =	veq.s32 v5, $0x2;
	v57 =	vld [tilespmem:s24+$0x0];
	vm15 =	veq.s32 v5, $0x1;
	v15 =	vsel vm8, v15, v16  }
0x87: {  	s12 =	sadd.s32 s10, s18;
	vm11 =	veq.s32 v6, $0x1;
	v13 =	vsel vm12, v19, v13;
	vm12 =	veq.s32 v7, $0x2;
	v19 =	vld [tilespmem:s26+$0x0]  }
0x88: {  	s13 =	sadd.s32 s20, s18;
	vm7 =	veq.s32 v6, $0x2;
	v17 =	vsel vm11, v17, v18;
	v18 =	vld [tilespmem:s12+$0x0];
	v13 =	vsel vm12, v20, v13  }
0x89: {  	v12 =	vsel vm6, v12, v15;
	v15 =	vld [tilespmem:s13+$0x0];
	v16 =	vsel vm15, v22, v21;
	v13 =	vsel vm13, v24, v13  }
0x8a: {  	v11 =	vsel vm3, v11, v12;
	v10 =	vsel vm9, v10, v13;
	v13 =	vsel vm14, v23, v16  }
0x8b: {  	v14 =	vsel vm7, v14, v17;
	v10 =	vmax.f32 v10, $9.999999740e-06;
	v13 =	vsel vm10, v57, v13  }
0x8c: {  	v12 =	vand.u32 $0x7FFFFF, v10;
	v9 =	vsel vm5, v9, v13;
	v13 =	vsel vm4, v19, v14  }
0x8d: {  	v12 =	vcvt.s32.f32 v12;
	v14 =	vmax.f32 v9, $9.999999740e-06;
	v9 =	vsel vm2, v18, v13  }
0x8e: {  	v13 =	vand.u32 $0x7FFFFF, v14;
	v16 =	vmax.f32 v9, $9.999999740e-06;
	v9 =	vsel vm1, v15, v11  }
0x8f: {  	v11 =	vmul.f32 $1.107934910e-29, v12;
	v13 =	vcvt.s32.f32 v13;
	v15 =	vand.u32 $0x7FFFFF, v16  }
0x90: {  	v58 =	vshrl.u32 v0, v7;
	v17 =	vmax.f32 v9, $9.999999740e-06;
	v15 =	vcvt.s32.f32 v15  }
0x91: {  	v18 =	vand.u32 $0x7FFFFF, v17;
	v9 =	vsub.f32 $3.666102190e-22, v11;
	v11 =	vmul.f32 $1.107934910e-29, v13  }
0x92: {  	v21 =	vshrl.u32 v0, v4;
	v18 =	vcvt.s32.f32 v18;
	v19 =	vmul.f32 $1.107934910e-29, v15  }
0x93: {  	v21 =	vand.u32 $0x1, v21;
	v9 =	vmul.f32 v12, v9;
	v11 =	vsub.f32 $3.666102190e-22, v11  }
0x94: {  	v20 =	vshrl.u32 v0, v6;
	v22 =	vmul.f32 $1.107934910e-29, v18;
	v19 =	vsub.f32 $3.666102190e-22, v19  }
0x95: {  	v20 =	vand.u32 $0x1, v20;
	v9 =	vadd.f32 $-6.594839710e-15, v9;
	v11 =	vmul.f32 v13, v11  }
0x96: {  	v24 =	vand.u32 $0x1, v58;
	v22 =	vsub.f32 $3.666102190e-22, v22;
	v19 =	vmul.f32 v15, v19  }
0x97: {  	v23 =	vshrl.u32 v0, v5;
	v9 =	vmul.f32 v12, v9;
	v11 =	vadd.f32 $-6.594839710e-15, v11  }
0x98: {  	s4 =	sadd.s32 $0x200, s4;
	v24 =	vcvt.s32.f32 v24;
	v22 =	vmul.f32 v18, v22;
	v19 =	vadd.f32 $-6.594839710e-15, v19  }
0x99: {  	s24 =	sand.u32 $0x40, s23;
	s13 =	sand.u32 $0xC00, s4;
	v23 =	vand.u32 $0x1, v23;
	v9 =	vadd.f32 $3.603451760e-08, v9;
	v11 =	vmul.f32 v13, v11  }
0x9a: {  	s14 =	rddreg [dreg:$0x7];
	s21 =	sor.u32 $0x10, s24;
	s18 =	sadd.s32 s13, s0;
	v59 =	vcvt.s32.f32 v10;
	v22 =	vadd.f32 $-6.594839710e-15, v22;
	v19 =	vmul.f32 v15, v19  }
0x9b: {  	s15 =	rddreg [dreg:$0x6];
	s20 =	sadd.s32 s21, s18;
	v23 =	vcvt.s32.f32 v23;
	v12 =	vmul.f32 v12, v9;
	v11 =	vadd.f32 $3.603451760e-08, v11  }
0x9c: {  	s22 =	sadd.s32 s13, s14;
	s26 =	sadd.s32 s24, s18;
	v14 =	vcvt.s32.f32 v14;
	v9 =	vld [tilespmem:s20+$0x0];
	s20 =	sor.u32 $0x30, s24;
	v22 =	vmul.f32 v18, v22;
	v19 =	vadd.f32 $3.603451760e-08, v19  }
0x9d: {  	s12 =	rddreg [dreg:$0x5];
	s11 =	sadd.s32 s13, s15;
	v10 =	vld [tilespmem:s26+$0x0];
	v25 =	vmul.f32 $8.262958320e-08, v59;
	s15 =	sadd.s32 s20, s22;
	v26 =	vadd.f32 $-8.802954860e+01, v12;
	v13 =	vmul.f32 v13, v11  }
0x9e: {  	s12 =	sadd.s32 s13, s12;
	v16 =	vcvt.s32.f32 v16;
	s26 =	sadd.s32 s20, s11;
	v11 =	vld [tilespmem:s15+$0x0];
	v22 =	vadd.f32 $3.603451760e-08, v22;
	v19 =	vmul.f32 v15, v19  }
0x9f: {  	s10 =	sor.u32 $0x20, s24;
	s14 =	rddreg [dreg:$0x4];
	v60 =	vmul.f32 $8.262958320e-08, v14;
	s15 =	sadd.s32 s20, s12;
	v12 =	vld [tilespmem:s26+$0x0];
	v25 =	vadd.f32 v26, v25;
	v13 =	vadd.f32 $-8.802954860e+01, v13  }
0xa0: {  	p0 =	sne.s32 s23, $0x1C0;
	s13 =	sor.u32 s13, s14;
	v17 =	vcvt.s32.f32 v17;
	s26 =	sadd.s32 s10, s11;
	v15 =	vld [tilespmem:s15+$0x0];
	v18 =	vmul.f32 v18, v22;
	v19 =	vadd.f32 $-8.802954860e+01, v19  }
.Ltmp0:
0xa1: {  	v61 =	vmul.f32 $8.262958320e-08, v16;
	v14 =	vld [tilespmem:s26+$0x0];
	s15 =	sor.u32 s20, s13;
	v22 =	vadd.f32 $9.999999740e-06, v25;
	v13 =	vadd.f32 v13, v60;
	(pc) =	sbr.rel @p0 .LBB2_5-.Ltmp0, $4  }
0xa2: {  	vm2 =	vlt.s32 v7, $0x1;
	v62 =	vmul.f32 $8.262958320e-08, v17;
	s26 =	sadd.s32 s10, s12;
	v16 =	vld.idx.msk [tilespmem:v2+s15+$0x0 ss:$0x1], $0xffff;
	v18 =	vadd.f32 $-8.802954860e+01, v18  }
0xa3: {  	v17 =	vld [tilespmem:s26+$0x0];
	v25 =	vadd.f32 v19, v61;
	v22 =	vmul.f32 v24, v22;
	v63 =	vadd.f32 $9.999999740e-06, v13  }
0xa4: {  	s14 =	sor.u32 s10, s13;
	vm1 =	vlt.s32 v6, $0x1;
	v19 =	vcvt.s32.f32 v20;
	v13 =	vld.idx.msk [tilespmem:v1+s15+$0x0 ss:$0x1], $0xffff;
	v20 =	vadd.f32 v18, v62  }
0xa5: {  	s23 =	sadd.s32 $0x40, s23;
	s26 =	sadd.s32 s24, s22;
	v18 =	vld.idx.msk [tilespmem:v2+s14+$0x0 ss:$0x1], $0xffff;
	v8 =	vadd.f32 v22, v8;
	v22 =	vmul.f32 v23, v63;
	v23 =	vadd.f32 $9.999999740e-06, v25  }
0xa6: {  	_ =	sdelay $0x2  }
0xa7: {  	v24 =	vld [tilespmem:s26+$0x0];
	v25 =	vnsel vm2, $0x1, v7  }
0xa8: {  	vm12 =	vlt.s32 v5, $0x1;
	v21 =	vcvt.s32.f32 v21;
	s0 =	sor.u32 s21, s13;
	v7 =	vld.idx.msk [tilespmem:v1+s14+$0x0 ss:$0x1], $0xffff;
	v20 =	vadd.f32 $9.999999740e-06, v20  }
0xa9: {  	s4 =	sor.u32 s24, s13;
	v6 =	vnsel vm1, $0x1, v6;
	v22 =	vadd.f32 v22, v8;
	v19 =	vmul.f32 v19, v23;
	v8 =	vld.idx.msk [tilespmem:v1+s0+$0x0 ss:$0x1], $0xffff  }
0xaa: {  	s26 =	sadd.s32 s24, s11;
	v4 =	vnsel vm0, $0x1, v4;
	v34 =	vadd.s32 v3, v25;
	v5 =	vnsel vm12, $0x1, v5;
	v3 =	vld.idx.msk [tilespmem:v1+s4+$0x0 ss:$0x1], $0xffff  }
0xab: {  	v35 =	vld [tilespmem:s26+$0x0];
	v5 =	vadd.s32 v5, v34;
	v20 =	vmul.f32 v21, v20;
	v19 =	vadd.f32 v19, v22  }
0xac: {  	s13 =	sadd.s32 s24, s12;
	v5 =	vadd.s32 v6, v5;
	v6 =	vld.idx.msk [tilespmem:v2+s4+$0x0 ss:$0x1], $0xffff;
	vm2 =	veq.s32 v13, $0x3;
	vm1 =	veq.s32 v13, $0x4  }
0xad: {  	vm0 =	vlt.s32 v13, $0x1;
	vm8 =	veq.s32 v13, $0x1;
	v4 =	vadd.s32 v4, v5;
	v5 =	vld [tilespmem:s13+$0x0]  }
0xae: {  	s14 =	sadd.s32 s21, s12;
	v36 =	vld.idx.msk [tilespmem:v2+s0+$0x0 ss:$0x1], $0xffff;
	vm6 =	veq.s32 v13, $0x2;
	v50 =	vshrl.u32 v0, v13;
	v15 =	vsel vm8, v15, v16  }
0xaf: {  	s15 =	sadd.s32 s21, s11;
	v37 =	vld [tilespmem:s14+$0x0];
	vm4 =	veq.s32 v7, $0x3;
	vm3 =	veq.s32 v7, $0x4;
	vm7 =	veq.s32 v7, $0x2  }
0xb0: {  	s21 =	sadd.s32 s21, s22;
	v38 =	vld [tilespmem:s15+$0x0];
	vm11 =	veq.s32 v7, $0x1;
	v12 =	vsel vm6, v12, v15;
	vm5 =	veq.s32 v8, $0x4  }
0xb1: {  	s23 =	sadd.s32 s10, s22;
	v39 =	vld [tilespmem:s21+$0x0];
	vm9 =	veq.s32 v3, $0x4;
	vm10 =	veq.s32 v8, $0x3;
	vm12 =	veq.s32 v3, $0x1  }
0xb2: {  	s24 =	sadd.s32 s10, s18;
	vm13 =	veq.s32 v3, $0x3;
	v5 =	vsel vm12, v5, v6;
	vm12 =	veq.s32 v3, $0x2;
	v6 =	vld [tilespmem:s23+$0x0]  }
0xb3: {  	v40 =	vld [tilespmem:s24+$0x0];
	s26 =	sadd.s32 s20, s18;
	vm14 =	veq.s32 v8, $0x2;
	vm15 =	veq.s32 v8, $0x1;
	v5 =	vsel vm12, v35, v5  }
0xb4: {  	v42 =	vld [tilespmem:s26+$0x0];
	v17 =	vsel vm11, v17, v18;
	v41 =	vsel vm15, v37, v36;
	v5 =	vsel vm13, v24, v5  }
0xb5: {  	v11 =	vsel vm2, v11, v12;
	v5 =	vsel vm9, v10, v5;
	v10 =	vsel vm14, v38, v41  }
0xb6: {  	v14 =	vsel vm7, v14, v17;
	v5 =	vmax.f32 v5, $9.999999740e-06;
	v10 =	vsel vm10, v39, v10  }
0xb7: {  	v43 =	vand.u32 $0x7FFFFF, v5;
	v9 =	vsel vm5, v9, v10;
	v6 =	vsel vm4, v6, v14  }
0xb8: {  	v10 =	vcvt.s32.f32 v43;
	v9 =	vmax.f32 v9, $9.999999740e-06;
	v6 =	vsel vm3, v40, v6  }
0xb9: {  	v11 =	vsel vm1, v42, v11;
	v44 =	vand.u32 $0x7FFFFF, v9;
	v6 =	vmax.f32 v6, $9.999999740e-06  }
0xba: {  	v45 =	vmul.f32 $1.107934910e-29, v10;
	v12 =	vcvt.s32.f32 v44;
	v46 =	vand.u32 $0x7FFFFF, v6  }
0xbb: {  	v63 =	vand.u32 $0x1, v50;
	v11 =	vmax.f32 v11, $9.999999740e-06;
	v15 =	vcvt.s32.f32 v46  }
0xbc: {  	v48 =	vand.u32 $0x7FFFFF, v11;
	v14 =	vsub.f32 $3.666102190e-22, v45;
	v47 =	vmul.f32 $1.107934910e-29, v12  }
0xbd: {  	v19 =	vadd.f32 v20, v19;
	v17 =	vcvt.s32.f32 v48;
	v49 =	vmul.f32 $1.107934910e-29, v15  }
0xbe: {  	v51 =	vshrl.u32 v0, v7;
	v14 =	vmul.f32 v10, v14;
	v16 =	vsub.f32 $3.666102190e-22, v47  }
0xbf: {  	v53 =	vshrl.u32 v0, v8;
	v52 =	vmul.f32 $1.107934910e-29, v17;
	v18 =	vsub.f32 $3.666102190e-22, v49  }
0xc0: {  	v54 =	vshrl.u32 v0, v3;
	v14 =	vadd.f32 $-6.594839710e-15, v14;
	v16 =	vmul.f32 v12, v16  }
0xc1: {  	v21 =	vand.u32 $0x1, v51;
	v22 =	vsub.f32 $3.666102190e-22, v52;
	v18 =	vmul.f32 v15, v18  }
0xc2: {  	v23 =	vand.u32 $0x1, v53;
	v14 =	vmul.f32 v10, v14;
	v16 =	vadd.f32 $-6.594839710e-15, v16  }
0xc3: {  	v62 =	vcvt.s32.f32 v21;
	v22 =	vmul.f32 v17, v22;
	v18 =	vadd.f32 $-6.594839710e-15, v18  }
0xc4: {  	v11 =	vcvt.s32.f32 v11;
	v14 =	vadd.f32 $3.603451760e-08, v14;
	v16 =	vmul.f32 v12, v16  }
0xc5: {  	v24 =	vand.u32 $0x1, v54;
	v22 =	vadd.f32 $-6.594839710e-15, v22;
	v18 =	vmul.f32 v15, v18  }
0xc6: {  	v5 =	vcvt.s32.f32 v5;
	v10 =	vmul.f32 v10, v14;
	v55 =	vadd.f32 $3.603451760e-08, v16  }
0xc7: {  	v9 =	vcvt.s32.f32 v9;
	v57 =	vmul.f32 v17, v22;
	v56 =	vadd.f32 $3.603451760e-08, v18  }
0xc8: {  	v5 =	vmul.f32 $8.262958320e-08, v5;
	v10 =	vadd.f32 $-8.802954860e+01, v10;
	v12 =	vmul.f32 v12, v55  }
0xc9: {  	v6 =	vcvt.s32.f32 v6;
	v59 =	vadd.f32 $3.603451760e-08, v57;
	v58 =	vmul.f32 v15, v56  }
0xca: {  	v9 =	vmul.f32 $8.262958320e-08, v9;
	v5 =	vadd.f32 v10, v5;
	v10 =	vadd.f32 $-8.802954860e+01, v12  }
0xcb: {  	v24 =	vcvt.s32.f32 v24;
	v61 =	vmul.f32 v17, v59;
	v60 =	vadd.f32 $-8.802954860e+01, v58  }
0xcc: {  	v6 =	vmul.f32 $8.262958320e-08, v6;
	v5 =	vadd.f32 $9.999999740e-06, v5;
	v9 =	vadd.f32 v10, v9  }
0xcd: {  	v11 =	vmul.f32 $8.262958320e-08, v11;
	v14 =	vadd.f32 $-8.802954860e+01, v61;
	v10 =	vcvt.s32.f32 v23  }
0xce: {  	v6 =	vadd.f32 v60, v6;
	v5 =	vmul.f32 v24, v5;
	v9 =	vadd.f32 $9.999999740e-06, v9  }
0xcf: {  	vm15 =	vlt.s32 v8, $0x1;
	vm14 =	vlt.s32 v3, $0x1;
	v11 =	vadd.f32 v14, v11  }
0xd0: {  	s2 =	sadd.s32 $0x1, s2;
	v6 =	vadd.f32 $9.999999740e-06, v6;
	v5 =	vadd.f32 v5, v19;
	v9 =	vmul.f32 v10, v9  }
0xd1: {  	p0 =	seq.s32 s2, $0x10;
	vm13 =	vlt.s32 v7, $0x1;
	v3 =	vnsel vm14, $0x1, v3;
	v10 =	vcvt.s32.f32 v63  }
.Ltmp1:
0xd2: {  	v6 =	vmul.f32 v62, v6;
	v5 =	vadd.f32 v9, v5;
	v9 =	vadd.f32 $9.999999740e-06, v11;
	(pc) =	sbr.rel @!p0 .LBB2_4-.Ltmp1, $4  }
0xd3: {  	v7 =	vnsel vm13, $0x1, v7;
	v3 =	vadd.s32 v4, v3;
	v4 =	vnsel vm15, $0x1, v8  }
0xd4: {  	v3 =	vadd.s32 v4, v3;
	v4 =	vadd.f32 v6, v5;
	v5 =	vmul.f32 v10, v9  }
0xd5: {  	v3 =	vadd.s32 v7, v3;
	v6 =	vnsel vm0, $0x1, v13  }
0xd6: {  	v3 =	vadd.s32 v6, v3;
	v8 =	vadd.f32 v5, v4  }
0xd7: {  	p0 =	seq.s32 s29, $0x8  }
.Ltmp2:
0xd8: {  	_ = 	snop;
	(pc) =	sbr.rel @!p0 .LBB2_3-.Ltmp2, $1  }
0xd9: {  	_ =	sdelay $0x3  }
0xda: {  	[tilespmem:$0x18080] =	vst v8;
	s0 =	rddreg [dreg:$0xd];
	s2 =	simm.s32 $0x18080  }
0xdb: {  	[hbm4b:s0+s5] =	stream.linear.scatter [tilespmem:s2], [sflag:$0x2], $0x10, $0x38;
	[tilespmem:$0x18100] =	vst v63  }
0xdc: {  	_ =	swait.ge [sflag:s19], $0x10  }
0xdd: {  	v0 =	vcvt.s32.f32 v3;
	s28 =	sadd.s32 $0x1, s28;
	[sflag:s19] =	ssyncset.done $0x0  }
0xde: {  	p0 =	sne.s32 s28, s17;
	[sflag:s19] =	ssyncadd.s32 $0xFFFFFFF0  }
.Ltmp3:
0xdf: {  	[tilespmem:$0x18080] =	vst v0;
	(pc) =	sbr.rel @p0 .LBB2_1-.Ltmp3, $4  }
0xe0: {  	[hbm4b:s16+s5] =	stream.linear.scatter [tilespmem:s2], [sflag:$0x2], $0x10, $0x38;
	[tilespmem:$0x18100] =	vst v63  }
0xe1: {  	_ =	swait.ge [sflag:s19], $0x10  }
0xe2: {  	[sflag:s19] =	ssyncset.done $0x0  }
0xe3: {  	[sflag:s19] =	ssyncadd.s32 $0xFFFFFFF0  }
0xe4: {  	_ =	sfence.sel $0x180000  }
0xe5: {  	[bflag:$0x0] =	sbarrier.arrive $0xFFFF  }
0xe6: {  	_ =	strace $0x90000047  }
0xe7: {  	s0 =	stileid.u32;
	[bflag:$0x2] =	sbarrier.arrive $0xFFFF  }
0xe8: {  	p0 =	sne.s32 s0, $0x0;
	s0 =	rddreg [dreg:$0x3]  }
0xe9: {  	s0 =	sadd.s32 @!p0 $0x100000, s0  }
0xea: {  	[sflag:s0] =	ssyncadd.tile.s32 @!p0 $0x1;
	_ =	shalt  }
.Lfunc_end2:
_tile_overlayer_lowered:
.L_overlay_start_2:
0xeb: {  	(tag) =	ssettag $0x2  }
0xec: {  	s0 =	rddreg [dreg:$0x0];
	s2 =	stileid.u32  }
0xed: {  	s1 =	rddreg [dreg:$0x1];
	p0 =	sne.s32 s2, $0x0  }
0xee: {  	s3 =	rddreg [dreg:$0x2];
	[bflag:$0x3] =	sbarrier.arrive $0xFFFF;
	s2 =	simm.s32 @!p0 $0x1C02  }
0xef: {  	[timem:s3], [sflag:s2] =	dma.local @!p0 [hbm:s0], s1  }
0xf0: {  	s0 =	simm.s32 @!p0 $0x2  }
0xf1: {  	_ =	swait.ge @!p0 [sflag:s0], s1  }
0xf2: {  	s1 =	ssub.s32 @!p0 $0x0, s1;
	[sflag:s0] =	ssyncset.done @!p0 $0x0  }
0xf3: {  	[sflag:s0] =	ssyncadd.s32 @!p0 s1  }
0xf4: {  	[bflag:$0x3] =	sbarrier.arrive $0xFFFF  }
0xf5: {  	_ =	shalt  }

</sc_bundles>
